<compile_context>
chip_gen: v7x
topology: tpu7x:2x2x1
jax: 0.10.2.dev20260603
libtpu: 0.0.44.dev20260713+nightly
codegen_flags: <defaults>
</compile_context>

<pallas_src>
import functools

import jax
import jax.numpy as jnp
from jax import lax
from jax.experimental import pallas as pl
from jax.experimental.pallas import tpu as pltpu
from jax.experimental.pallas import tpu_sc as plsc

DIM = 32
NC = 2
NS = 16
NW = NC * NS


def _make_gather(b, l):
    bpw = b // NW
    rows_pw = (bpw * l) // 128
    nbk = bpw // 128

    mesh = plsc.VectorSubcoreMesh(core_axis_name="c", subcore_axis_name="s")

    @functools.partial(
        pl.kernel,
        mesh=mesh,
        out_type=jax.ShapeDtypeStruct((l * DIM * b // 128, 128), jnp.float32),
        scratch_types=[
            pltpu.VMEM((rows_pw, 128), jnp.int32),
            pltpu.VMEM((l, bpw), jnp.int32),
            pltpu.VMEM((2, bpw, DIM), jnp.float32),
            pltpu.VMEM((2, 2, 2 * nbk * 8, 137), jnp.float32),
            pltpu.SemaphoreType.DMA((2,)),
            pltpu.SemaphoreType.DMA((2,)),
        ],
        compiler_params=pltpu.CompilerParams(
            use_tc_tiling_on_sc=False, needs_layout_passes=False
        ),
    )
    def gather_kernel(idx_hbm, table_hbm, out_hbm, idxv, lidx, rows, tbuf,
                      gsem, osem):
        wid = lax.axis_index("s") * NC + lax.axis_index("c")
        iota = lax.iota(jnp.int32, 16)

        pltpu.sync_copy(idx_hbm.at[pl.ds(wid * rows_pw, rows_pw)], idxv)

        v_l = iota * l

        def repack(li, _):
            def inner(c, _):
                p = v_l + (c * 16 * l + li)
                r = lax.shift_right_logical(p, 7)
                cc = lax.bitwise_and(p, 127)
                lidx[li, pl.ds(c * 16, 16)] = plsc.load_gather(idxv, [r, cc])
                return 0

            lax.fori_loop(0, bpw // 16, inner, 0)
            return 0

        lax.fori_loop(0, l, repack, 0)

        def fire_gathers(li, p):
            pltpu.async_copy(
                table_hbm.at[lidx.at[li]],
                rows.at[p],
                gsem.at[p],
            )

        def drain_gathers(p):
            pltpu.make_async_copy(
                table_hbm.at[lidx.at[0]],
                rows.at[p],
                gsem.at[p],
            ).wait()

        grows = nbk * 8

        def fire_writes(li, p):
            for g in range(DIM // 8):
                row0 = (li * b * DIM + g * b * 8 + wid * grows * 128) // 128
                pltpu.async_copy(
                    tbuf.at[p, g // 2, pl.ds((g % 2) * grows, grows), pl.ds(0, 128)],
                    out_hbm.at[pl.ds(row0, grows)],
                    osem.at[p],
                )

        def drain_writes(li, p):
            for g in range(DIM // 8):
                row0 = (li * b * DIM + g * b * 8 + wid * grows * 128) // 128
                pltpu.make_async_copy(
                    tbuf.at[p, g // 2, pl.ds((g % 2) * grows, grows), pl.ds(0, 128)],
                    out_hbm.at[pl.ds(row0, grows)],
                    osem.at[p],
                ).wait()

        pb = lax.shift_right_logical(iota, 3) * 32 + lax.bitwise_and(iota, 7)

        def transpose(p):
            @plsc.parallel_loop(0, bpw, unroll=8)
            def _(bq):
                rowv = pb + lax.shift_right_logical(bq, 7) * 8
                colv = iota * 0 + lax.bitwise_and(bq, 127)
                for h in range(2):
                    v = rows[p, bq, pl.ds(h * 16, 16)]
                    plsc.store_scatter(tbuf.at[p, h], [rowv, colv], v)

        fire_gathers(0, 0)

        def body(ll, _):
            for sub in range(2):
                li = ll * 2 + sub
                p = sub

                @pl.when(li + 1 < l)
                def _():
                    fire_gathers(li + 1, 1 - p)

                drain_gathers(p)

                @pl.when(ll >= 1)
                def _():
                    drain_writes(li - 2, p)

                transpose(p)
                fire_writes(li, p)
            return 0

        lax.fori_loop(0, l // 2, body, 0)

        drain_writes(l - 2, 0)
        drain_writes(l - 1, 1)

    return gather_kernel


def kernel(input_words, in_table):
    b, l = input_words.shape
    n = b * l
    idx2d = input_words.reshape(n // 128, 128).astype(jnp.int32)
    y = _make_gather(b, l)(idx2d, in_table)
    y5 = y.reshape(l, DIM // 8, b // 128, 8, 128)
    t = y5.transpose(2, 4, 0, 1, 3)
    return t.reshape(b, l, DIM)

# --- scband reference (transcript-rebuilt; emitter-appended) ---
"""Pipeline reference for scband-skip-gram-10041633538902 (READ-ONLY COPY).

The authoritative reference and input builder live on the scoring server;
editing this copy changes nothing except your own understanding.
"""

import jax, jax.numpy as jnp
import numpy as np

VOCAB = 1000000
DIM = 32
B = 16384
L = 50

def setup_inputs(seed: int = 0) -> dict:
    key = jax.random.key(seed)
    k1, k2 = jax.random.split(key)
    input_words = jax.random.randint(k1, (B, L), 0, VOCAB, dtype=jnp.int64) if jax.config.jax_enable_x64 else jax.random.randint(k1, (B, L), 0, VOCAB, dtype=jnp.int32)
    # in_embedding_layer weight initialized uniform(-1, 1) as in the torch module
    in_table = jax.random.uniform(k2, (VOCAB, DIM), dtype=jnp.float32, minval=-1.0, maxval=1.0)
    return {"input_words": input_words, "in_table": in_table}

def reference(input_words, in_table):
    # SkipGram.input_forward: embedding lookup into the input embedding table
    return jnp.take(in_table, input_words, axis=0)

if __name__ == "__main__":
    import jax
    _d = setup_inputs()
    print(jax.jit(kernel)(*tuple(_d.values())))

</pallas_src>

<mosaic_0001>
#map = affine_map<(d0, d1) -> (0, 0)>
module attributes {stable_mosaic.version = 14 : i64} {
  func.func @gather_kernel(%arg0: i32, %arg1: i32, %arg2: memref<6400x128xi32, #tpu.memory_space<hbm>>, %arg3: memref<1000000x32xf32, #tpu.memory_space<hbm>>, %arg4: memref<204800x128xf32, #tpu.memory_space<hbm>>, %arg5: memref<200x128xi32, #tpu.memory_space<vmem>>, %arg6: memref<50x512xi32, #tpu.memory_space<vmem>>, %arg7: memref<2x512x32xf32, #tpu.memory_space<vmem>>, %arg8: memref<2x2x64x137xf32, #tpu.memory_space<vmem>>, %arg9: memref<2x!tpu.dma_semaphore, #tpu.memory_space<semaphore_mem>>, %arg10: memref<2x!tpu.dma_semaphore, #tpu.memory_space<semaphore_mem>>) attributes {dimension_semantics = [#tpu.dimension_semantics<core_parallel>, #tpu.dimension_semantics<subcore_parallel>], iteration_bounds = array<i64: 2, 16>, scalar_prefetch = 0 : i64, scratch_operands = 6 : i64, tpu.core_type = #tpu.core_type<sc_vector_subcore>, window_params = [{transform_indices = #map}, {transform_indices = #map}, {transform_indices = #map}]} {
    %mul3A = arith.constant 2 : i32
    %mul3A_0 = arith.muli %arg1, %mul3A : i32
    %add3A = arith.addi %mul3A_0, %arg0 : i32
    %iota3A = tpu.iota {dimensions = array<i32: 0>} : vector<16xi32>
    %mul3A_1 = arith.constant 200 : i32
    %mul3A_2 = arith.muli %add3A, %mul3A_1 : i32
    "tpu.region"() ({
      %run_scoped3A = tpu.sem_alloc : memref<!tpu.dma_semaphore, #tpu.memory_space<semaphore_mem>>
      %dma_start3A_409 = arith.constant 0 : i32
      %dma_start3A_410 = tpu.memref_slice %arg2[%mul3A_2, %dma_start3A_409] : memref<6400x128xi32, #tpu.memory_space<hbm>> -> memref<200x128xi32, #tpu.memory_space<hbm>>
      %dma_start3A_411 = arith.constant 0 : i32
      %dma_start3A_412 = tpu.memref_slice %arg2[%mul3A_2, %dma_start3A_411] : memref<6400x128xi32, #tpu.memory_space<hbm>> -> memref<200x128xi32, #tpu.memory_space<hbm>>
      tpu.enqueue_dma source(%dma_start3A_412 : memref<200x128xi32, #tpu.memory_space<hbm>>) target(%arg5 : memref<200x128xi32, #tpu.memory_space<vmem>>) target_semaphore(%run_scoped3A : memref<!tpu.dma_semaphore, #tpu.memory_space<semaphore_mem>>)
      %dma_wait3A_413 = arith.constant 0 : i32
      %dma_wait3A_414 = tpu.memref_slice %arg2[%mul3A_2, %dma_wait3A_413] : memref<6400x128xi32, #tpu.memory_space<hbm>> -> memref<200x128xi32, #tpu.memory_space<hbm>>
      %dma_wait3A_415 = arith.constant 0 : i32
      %dma_wait3A_416 = tpu.memref_slice %arg2[%mul3A_2, %dma_wait3A_415] : memref<6400x128xi32, #tpu.memory_space<hbm>> -> memref<200x128xi32, #tpu.memory_space<hbm>>
      tpu.wait_dma2 semaphore(%run_scoped3A : memref<!tpu.dma_semaphore, #tpu.memory_space<semaphore_mem>>) src(%dma_wait3A_416 : memref<200x128xi32, #tpu.memory_space<hbm>>) dst(%arg5 : memref<200x128xi32, #tpu.memory_space<vmem>>)
      tpu.yield
    }) : () -> ()
    %mul3A_3 = arith.constant 50 : i32
    %mul3A_4 = vector.broadcast %mul3A_3 : i32 to vector<16xi32>
    %mul3A_5 = arith.muli %iota3A, %mul3A_4 : vector<16xi32>
    %scan3A = arith.constant 0 : i32
    %scan3A_6 = arith.constant 0 : i32
    %scan3A_7 = arith.constant 50 : i32
    %scan3A_8 = arith.addi %scan3A_6, %scan3A_7 : i32
    %scan3A_9 = arith.constant 1 : i32
    %scan3A_10 = scf.for %scan3A_409 = %scan3A_6 to %scan3A_8 step %scan3A_9 iter_args(%scan3A_410 = %scan3A) -> (i32)  : i32 {
      %scan3A_411 = arith.constant 0 : i32
      %scan3A_412 = arith.constant 0 : i32
      %scan3A_413 = arith.constant 32 : i32
      %scan3A_414 = arith.addi %scan3A_412, %scan3A_413 : i32
      %scan3A_415 = arith.constant 1 : i32
      %scan3A_416 = scf.for %scan3A_419 = %scan3A_412 to %scan3A_414 step %scan3A_415 iter_args(%scan3A_420 = %scan3A_411) -> (i32)  : i32 {
        %mul3A_421 = arith.constant 16 : i32
        %mul3A_422 = arith.muli %scan3A_419, %mul3A_421 : i32
        %mul3A_423 = arith.constant 50 : i32
        %mul3A_424 = arith.muli %mul3A_422, %mul3A_423 : i32
        %add3A_425 = arith.addi %mul3A_424, %scan3A_409 : i32
        %add3A_426 = vector.broadcast %add3A_425 : i32 to vector<16xi32>
        %add3A_427 = arith.addi %mul3A_5, %add3A_426 : vector<16xi32>
        %shift_right_logical3A_428 = arith.constant 7 : i32
        %shift_right_logical3A_429 = vector.broadcast %shift_right_logical3A_428 : i32 to vector<16xi32>
        %shift_right_logical3A_430 = arith.shrui %add3A_427, %shift_right_logical3A_429 : vector<16xi32>
        %and3A_431 = arith.constant 127 : i32
        %and3A_432 = vector.broadcast %and3A_431 : i32 to vector<16xi32>
        %and3A_433 = arith.andi %add3A_427, %and3A_432 : vector<16xi32>
        %gather3A = tpu.vector_load_idx %arg5[%shift_right_logical3A_430, %and3A_433] : memref<200x128xi32, #tpu.memory_space<vmem>>[vector<16xi32>, vector<16xi32>], vector<16xi32>,
        %mul3A_434 = arith.constant 16 : i32
        %mul3A_435 = arith.muli %scan3A_419, %mul3A_434 : i32
        %swap3A = arith.index_cast %scan3A_409 : i32 to index
        %swap3A_436 = arith.index_cast %mul3A_435 : i32 to index
        %swap3A_437 = tpu.vector_load %arg6[%swap3A, %swap3A_436] {strides = array<i32>} : memref<50x512xi32, #tpu.memory_space<vmem>>, vector<16xi32>,
        tpu.vector_store %arg6[%swap3A, %swap3A_436], %gather3A {strides = array<i32>} : memref<50x512xi32, #tpu.memory_space<vmem>>, vector<16xi32>,
        %scan3A_438 = arith.constant 0 : i32
        scf.yield %scan3A_438 : i32
      }
      %scan3A_417 = arith.constant 32 : i32
      %scan3A_418 = arith.constant 0 : i32
      scf.yield %scan3A_418 : i32
    }
    %scan3A_11 = arith.constant 50 : i32
    %shift_right_logical3A = arith.constant 3 : i32
    %shift_right_logical3A_12 = vector.broadcast %shift_right_logical3A : i32 to vector<16xi32>
    %shift_right_logical3A_13 = arith.shrui %iota3A, %shift_right_logical3A_12 : vector<16xi32>
    %mul3A_14 = arith.constant 32 : i32
    %mul3A_15 = vector.broadcast %mul3A_14 : i32 to vector<16xi32>
    %mul3A_16 = arith.muli %shift_right_logical3A_13, %mul3A_15 : vector<16xi32>
    %and3A = arith.constant 7 : i32
    %and3A_17 = vector.broadcast %and3A : i32 to vector<16xi32>
    %and3A_18 = arith.andi %iota3A, %and3A_17 : vector<16xi32>
    %add3A_19 = arith.addi %mul3A_16, %and3A_18 : vector<16xi32>
    %dma_start3A = arith.constant 0 : i32
    %dma_start3A_20 = arith.constant 0 : i32
    %dma_start3A_21 = arith.constant 0 : i32
    %dma_start3A_22 = arith.constant 0 : i32
    %dma_start3A_23 = arith.constant 0 : i32
    %dma_start3A_24 = tpu.memref_slice %arg7[%dma_start3A_20, %dma_start3A_22, %dma_start3A_23] : memref<2x512x32xf32, #tpu.memory_space<vmem>> -> memref<1x512x32xf32, #tpu.memory_space<vmem>>
    %dma_start3A_25 = tpu.memref_squeeze %dma_start3A_24 : memref<1x512x32xf32, #tpu.memory_space<vmem>> -> memref<512x32xf32, #tpu.memory_space<vmem>>
    %dma_start3A_26 = arith.constant 0 : i32
    %dma_start3A_27 = tpu.memref_slice %arg6[%dma_start3A, %dma_start3A_26] : memref<50x512xi32, #tpu.memory_space<vmem>> -> memref<1x512xi32, #tpu.memory_space<vmem>>
    %dma_start3A_28 = tpu.memref_squeeze %dma_start3A_27 : memref<1x512xi32, #tpu.memory_space<vmem>> -> memref<512xi32, #tpu.memory_space<vmem>>
    %dma_start3A_29 = arith.constant 0 : i32
    %dma_start3A_30 = arith.constant 0 : i32
    %dma_start3A_31 = tpu.memref_slice %arg3[%dma_start3A_29, %dma_start3A_30] : memref<1000000x32xf32, #tpu.memory_space<hbm>> -> memref<1000000x32xf32, #tpu.memory_space<hbm>>
    %dma_start3A_32 = tpu.memref_slice %arg9[%dma_start3A_21] : memref<2x!tpu.dma_semaphore, #tpu.memory_space<semaphore_mem>> -> memref<1x!tpu.dma_semaphore, #tpu.memory_space<semaphore_mem>>
    %dma_start3A_33 = tpu.memref_squeeze %dma_start3A_32 : memref<1x!tpu.dma_semaphore, #tpu.memory_space<semaphore_mem>> -> memref<!tpu.dma_semaphore, #tpu.memory_space<semaphore_mem>>
    tpu.enqueue_indirect_dma source(%dma_start3A_31 : memref<1000000x32xf32, #tpu.memory_space<hbm>>) target(%dma_start3A_25 : memref<512x32xf32, #tpu.memory_space<vmem>>) offsets(%dma_start3A_28 : memref<512xi32, #tpu.memory_space<vmem>>) semaphore(%dma_start3A_33 : memref<!tpu.dma_semaphore, #tpu.memory_space<semaphore_mem>>)
    %scan3A_34 = arith.constant 0 : i32
    %scan3A_35 = arith.constant 0 : i32
    %scan3A_36 = arith.constant 25 : i32
    %scan3A_37 = arith.addi %scan3A_35, %scan3A_36 : i32
    %scan3A_38 = arith.constant 1 : i32
    %scan3A_39 = scf.for %scan3A_409 = %scan3A_35 to %scan3A_37 step %scan3A_38 iter_args(%scan3A_410 = %scan3A_34) -> (i32)  : i32 {
      %mul3A_411 = arith.constant 2 : i32
      %mul3A_412 = arith.muli %scan3A_409, %mul3A_411 : i32
      %add3A_413 = arith.constant 0 : i32
      %add3A_414 = arith.addi %mul3A_412, %add3A_413 : i32
      %add3A_415 = arith.constant 1 : i32
      %add3A_416 = arith.addi %add3A_414, %add3A_415 : i32
      %lt3A = arith.constant 50 : i32
      %lt3A_417 = arith.cmpi slt, %add3A_416, %lt3A : i32
      %convert_element_type3A = arith.extui %lt3A_417 : i1 to i32
      %cond3A = arith.constant 0 : i32
      %cond3A_418 = arith.cmpi ne, %convert_element_type3A, %cond3A : i32
      scf.if %cond3A_418 {
        %add3A_891 = arith.constant 1 : i32
        %add3A_892 = arith.addi %add3A_414, %add3A_891 : i32
        %dma_start3A_893 = arith.constant 1 : i32
        %dma_start3A_894 = arith.constant 1 : i32
        %dma_start3A_895 = arith.constant 0 : i32
        %dma_start3A_896 = arith.constant 0 : i32
        %dma_start3A_897 = tpu.memref_slice %arg7[%dma_start3A_893, %dma_start3A_895, %dma_start3A_896] : memref<2x512x32xf32, #tpu.memory_space<vmem>> -> memref<1x512x32xf32, #tpu.memory_space<vmem>>
        %dma_start3A_898 = tpu.memref_squeeze %dma_start3A_897 : memref<1x512x32xf32, #tpu.memory_space<vmem>> -> memref<512x32xf32, #tpu.memory_space<vmem>>
        %dma_start3A_899 = arith.constant 0 : i32
        %dma_start3A_900 = tpu.memref_slice %arg6[%add3A_892, %dma_start3A_899] : memref<50x512xi32, #tpu.memory_space<vmem>> -> memref<1x512xi32, #tpu.memory_space<vmem>>
        %dma_start3A_901 = tpu.memref_squeeze %dma_start3A_900 : memref<1x512xi32, #tpu.memory_space<vmem>> -> memref<512xi32, #tpu.memory_space<vmem>>
        %dma_start3A_902 = arith.constant 0 : i32
        %dma_start3A_903 = arith.constant 0 : i32
        %dma_start3A_904 = tpu.memref_slice %arg3[%dma_start3A_902, %dma_start3A_903] : memref<1000000x32xf32, #tpu.memory_space<hbm>> -> memref<1000000x32xf32, #tpu.memory_space<hbm>>
        %dma_start3A_905 = tpu.memref_slice %arg9[%dma_start3A_894] : memref<2x!tpu.dma_semaphore, #tpu.memory_space<semaphore_mem>> -> memref<1x!tpu.dma_semaphore, #tpu.memory_space<semaphore_mem>>
        %dma_start3A_906 = tpu.memref_squeeze %dma_start3A_905 : memref<1x!tpu.dma_semaphore, #tpu.memory_space<semaphore_mem>> -> memref<!tpu.dma_semaphore, #tpu.memory_space<semaphore_mem>>
        tpu.enqueue_indirect_dma source(%dma_start3A_904 : memref<1000000x32xf32, #tpu.memory_space<hbm>>) target(%dma_start3A_898 : memref<512x32xf32, #tpu.memory_space<vmem>>) offsets(%dma_start3A_901 : memref<512xi32, #tpu.memory_space<vmem>>) semaphore(%dma_start3A_906 : memref<!tpu.dma_semaphore, #tpu.memory_space<semaphore_mem>>)
      } else {
      }
      %dma_wait3A_419 = arith.constant 0 : i32
      %dma_wait3A_420 = arith.constant 0 : i32
      %dma_wait3A_421 = arith.constant 0 : i32
      %dma_wait3A_422 = arith.constant 0 : i32
      %dma_wait3A_423 = arith.constant 0 : i32
      %dma_wait3A_424 = tpu.memref_slice %arg7[%dma_wait3A_420, %dma_wait3A_422, %dma_wait3A_423] : memref<2x512x32xf32, #tpu.memory_space<vmem>> -> memref<1x512x32xf32, #tpu.memory_space<vmem>>
      %dma_wait3A_425 = tpu.memref_squeeze %dma_wait3A_424 : memref<1x512x32xf32, #tpu.memory_space<vmem>> -> memref<512x32xf32, #tpu.memory_space<vmem>>
      %dma_wait3A_426 = arith.constant 0 : i32
      %dma_wait3A_427 = tpu.memref_slice %arg6[%dma_wait3A_419, %dma_wait3A_426] : memref<50x512xi32, #tpu.memory_space<vmem>> -> memref<1x512xi32, #tpu.memory_space<vmem>>
      %dma_wait3A_428 = tpu.memref_squeeze %dma_wait3A_427 : memref<1x512xi32, #tpu.memory_space<vmem>> -> memref<512xi32, #tpu.memory_space<vmem>>
      %dma_wait3A_429 = arith.constant 0 : i32
      %dma_wait3A_430 = arith.constant 0 : i32
      %dma_wait3A_431 = tpu.memref_slice %arg3[%dma_wait3A_429, %dma_wait3A_430] : memref<1000000x32xf32, #tpu.memory_space<hbm>> -> memref<1000000x32xf32, #tpu.memory_space<hbm>>
      %dma_wait3A_432 = tpu.memref_slice %arg9[%dma_wait3A_421] : memref<2x!tpu.dma_semaphore, #tpu.memory_space<semaphore_mem>> -> memref<1x!tpu.dma_semaphore, #tpu.memory_space<semaphore_mem>>
      %dma_wait3A_433 = tpu.memref_squeeze %dma_wait3A_432 : memref<1x!tpu.dma_semaphore, #tpu.memory_space<semaphore_mem>> -> memref<!tpu.dma_semaphore, #tpu.memory_space<semaphore_mem>>
      tpu.wait_indirect_dma semaphore(%dma_wait3A_433 : memref<!tpu.dma_semaphore, #tpu.memory_space<semaphore_mem>>) src(%dma_wait3A_431 : memref<1000000x32xf32, #tpu.memory_space<hbm>>) dst(%dma_wait3A_425 : memref<512x32xf32, #tpu.memory_space<vmem>>)
      %ge3A = arith.constant 1 : i32
      %ge3A_434 = arith.cmpi sge, %scan3A_409, %ge3A : i32
      %convert_element_type3A_435 = arith.extui %ge3A_434 : i1 to i32
      %cond3A_436 = arith.constant 0 : i32
      %cond3A_437 = arith.cmpi ne, %convert_element_type3A_435, %cond3A_436 : i32
      scf.if %cond3A_437 {
        %sub3A_891 = arith.constant 2 : i32
        %sub3A_892 = arith.subi %add3A_414, %sub3A_891 : i32
        %mul3A_893 = arith.constant 16384 : i32
        %mul3A_894 = arith.muli %sub3A_892, %mul3A_893 : i32
        %mul3A_895 = arith.constant 32 : i32
        %mul3A_896 = arith.muli %mul3A_894, %mul3A_895 : i32
        %add3A_897 = arith.constant 0 : i32
        %add3A_898 = arith.addi %mul3A_896, %add3A_897 : i32
        %mul3A_899 = arith.constant 32 : i32
        %mul3A_900 = arith.muli %add3A, %mul3A_899 : i32
        %mul3A_901 = arith.constant 128 : i32
        %mul3A_902 = arith.muli %mul3A_900, %mul3A_901 : i32
        %add3A_903 = arith.addi %add3A_898, %mul3A_902 : i32
        %jit3A_904 = arith.constant 128 : i32
        %div3A_905 = arith.divsi %add3A_903, %jit3A_904 : i32
        %sign3A_906 = arith.constant 0 : i32
        %sign3A_907 = arith.cmpi sgt, %add3A_903, %sign3A_906 : i32
        %sign3A_908 = arith.extui %sign3A_907 : i1 to i32
        %sign3A_909 = arith.constant 0 : i32
        %sign3A_910 = arith.cmpi slt, %add3A_903, %sign3A_909 : i32
        %sign3A_911 = arith.extui %sign3A_910 : i1 to i32
        %sign3A_912 = arith.subi %sign3A_908, %sign3A_911 : i32
        %sign3A_913 = arith.constant 0 : i32
        %sign3A_914 = arith.cmpi sgt, %jit3A_904, %sign3A_913 : i32
        %sign3A_915 = arith.extui %sign3A_914 : i1 to i32
        %sign3A_916 = arith.constant 0 : i32
        %sign3A_917 = arith.cmpi slt, %jit3A_904, %sign3A_916 : i32
        %sign3A_918 = arith.extui %sign3A_917 : i1 to i32
        %sign3A_919 = arith.subi %sign3A_915, %sign3A_918 : i32
        %ne3A_920 = arith.cmpi ne, %sign3A_912, %sign3A_919 : i32
        %rem3A_921 = arith.remsi %add3A_903, %jit3A_904 : i32
        %ne3A_922 = arith.constant 0 : i32
        %ne3A_923 = arith.cmpi ne, %rem3A_921, %ne3A_922 : i32
        %and3A_924 = arith.andi %ne3A_920, %ne3A_923 : i1
        %sub3A_925 = arith.constant 1 : i32
        %sub3A_926 = arith.subi %div3A_905, %sub3A_925 : i32
        %select_n3A_927 = arith.select %and3A_924, %sub3A_926, %div3A_905 : i32
        %dma_wait3A_928 = arith.constant 0 : i32
        %dma_wait3A_929 = arith.constant 0 : i32
        %dma_wait3A_930 = arith.constant 0 : i32
        %dma_wait3A_931 = arith.constant 0 : i32
        %dma_wait3A_932 = arith.constant 0 : i32
        %dma_wait3A_933 = tpu.memref_slice %arg8[%dma_wait3A_928, %dma_wait3A_929, %dma_wait3A_931, %dma_wait3A_932] : memref<2x2x64x137xf32, #tpu.memory_space<vmem>> -> memref<1x1x32x128xf32, #tpu.memory_space<vmem>>
        %dma_wait3A_934 = tpu.memref_squeeze %dma_wait3A_933 : memref<1x1x32x128xf32, #tpu.memory_space<vmem>> -> memref<32x128xf32, #tpu.memory_space<vmem>>
        %dma_wait3A_935 = arith.constant 0 : i32
        %dma_wait3A_936 = tpu.memref_slice %arg4[%select_n3A_927, %dma_wait3A_935] : memref<204800x128xf32, #tpu.memory_space<hbm>> -> memref<32x128xf32, #tpu.memory_space<hbm>>
        %dma_wait3A_937 = tpu.memref_slice %arg10[%dma_wait3A_930] : memref<2x!tpu.dma_semaphore, #tpu.memory_space<semaphore_mem>> -> memref<1x!tpu.dma_semaphore, #tpu.memory_space<semaphore_mem>>
        %dma_wait3A_938 = tpu.memref_squeeze %dma_wait3A_937 : memref<1x!tpu.dma_semaphore, #tpu.memory_space<semaphore_mem>> -> memref<!tpu.dma_semaphore, #tpu.memory_space<semaphore_mem>>
        %dma_wait3A_939 = arith.constant 0 : i32
        %dma_wait3A_940 = tpu.memref_slice %arg4[%select_n3A_927, %dma_wait3A_939] : memref<204800x128xf32, #tpu.memory_space<hbm>> -> memref<32x128xf32, #tpu.memory_space<hbm>>
        %dma_wait3A_941 = arith.constant 0 : i32
        %dma_wait3A_942 = arith.constant 0 : i32
        %dma_wait3A_943 = tpu.memref_slice %arg8[%dma_wait3A_928, %dma_wait3A_929, %dma_wait3A_941, %dma_wait3A_942] : memref<2x2x64x137xf32, #tpu.memory_space<vmem>> -> memref<1x1x32x128xf32, #tpu.memory_space<vmem>>
        %dma_wait3A_944 = tpu.memref_squeeze %dma_wait3A_943 : memref<1x1x32x128xf32, #tpu.memory_space<vmem>> -> memref<32x128xf32, #tpu.memory_space<vmem>>
        tpu.wait_dma2 semaphore(%dma_wait3A_938 : memref<!tpu.dma_semaphore, #tpu.memory_space<semaphore_mem>>) src(%dma_wait3A_944 : memref<32x128xf32, #tpu.memory_space<vmem>>) dst(%dma_wait3A_940 : memref<32x128xf32, #tpu.memory_space<hbm>>)
        %mul3A_945 = arith.constant 16384 : i32
        %mul3A_946 = arith.muli %sub3A_892, %mul3A_945 : i32
        %mul3A_947 = arith.constant 32 : i32
        %mul3A_948 = arith.muli %mul3A_946, %mul3A_947 : i32
        %add3A_949 = arith.constant 131072 : i32
        %add3A_950 = arith.addi %mul3A_948, %add3A_949 : i32
        %mul3A_951 = arith.constant 32 : i32
        %mul3A_952 = arith.muli %add3A, %mul3A_951 : i32
        %mul3A_953 = arith.constant 128 : i32
        %mul3A_954 = arith.muli %mul3A_952, %mul3A_953 : i32
        %add3A_955 = arith.addi %add3A_950, %mul3A_954 : i32
        %jit3A_956 = arith.constant 128 : i32
        %div3A_957 = arith.divsi %add3A_955, %jit3A_956 : i32
        %sign3A_958 = arith.constant 0 : i32
        %sign3A_959 = arith.cmpi sgt, %add3A_955, %sign3A_958 : i32
        %sign3A_960 = arith.extui %sign3A_959 : i1 to i32
        %sign3A_961 = arith.constant 0 : i32
        %sign3A_962 = arith.cmpi slt, %add3A_955, %sign3A_961 : i32
        %sign3A_963 = arith.extui %sign3A_962 : i1 to i32
        %sign3A_964 = arith.subi %sign3A_960, %sign3A_963 : i32
        %sign3A_965 = arith.constant 0 : i32
        %sign3A_966 = arith.cmpi sgt, %jit3A_956, %sign3A_965 : i32
        %sign3A_967 = arith.extui %sign3A_966 : i1 to i32
        %sign3A_968 = arith.constant 0 : i32
        %sign3A_969 = arith.cmpi slt, %jit3A_956, %sign3A_968 : i32
        %sign3A_970 = arith.extui %sign3A_969 : i1 to i32
        %sign3A_971 = arith.subi %sign3A_967, %sign3A_970 : i32
        %ne3A_972 = arith.cmpi ne, %sign3A_964, %sign3A_971 : i32
        %rem3A_973 = arith.remsi %add3A_955, %jit3A_956 : i32
        %ne3A_974 = arith.constant 0 : i32
        %ne3A_975 = arith.cmpi ne, %rem3A_973, %ne3A_974 : i32
        %and3A_976 = arith.andi %ne3A_972, %ne3A_975 : i1
        %sub3A_977 = arith.constant 1 : i32
        %sub3A_978 = arith.subi %div3A_957, %sub3A_977 : i32
        %select_n3A_979 = arith.select %and3A_976, %sub3A_978, %div3A_957 : i32
        %dma_wait3A_980 = arith.constant 0 : i32
        %dma_wait3A_981 = arith.constant 0 : i32
        %dma_wait3A_982 = arith.constant 0 : i32
        %dma_wait3A_983 = arith.constant 32 : i32
        %dma_wait3A_984 = arith.constant 0 : i32
        %dma_wait3A_985 = tpu.memref_slice %arg8[%dma_wait3A_980, %dma_wait3A_981, %dma_wait3A_983, %dma_wait3A_984] : memref<2x2x64x137xf32, #tpu.memory_space<vmem>> -> memref<1x1x32x128xf32, #tpu.memory_space<vmem>>
        %dma_wait3A_986 = tpu.memref_squeeze %dma_wait3A_985 : memref<1x1x32x128xf32, #tpu.memory_space<vmem>> -> memref<32x128xf32, #tpu.memory_space<vmem>>
        %dma_wait3A_987 = arith.constant 0 : i32
        %dma_wait3A_988 = tpu.memref_slice %arg4[%select_n3A_979, %dma_wait3A_987] : memref<204800x128xf32, #tpu.memory_space<hbm>> -> memref<32x128xf32, #tpu.memory_space<hbm>>
        %dma_wait3A_989 = tpu.memref_slice %arg10[%dma_wait3A_982] : memref<2x!tpu.dma_semaphore, #tpu.memory_space<semaphore_mem>> -> memref<1x!tpu.dma_semaphore, #tpu.memory_space<semaphore_mem>>
        %dma_wait3A_990 = tpu.memref_squeeze %dma_wait3A_989 : memref<1x!tpu.dma_semaphore, #tpu.memory_space<semaphore_mem>> -> memref<!tpu.dma_semaphore, #tpu.memory_space<semaphore_mem>>
        %dma_wait3A_991 = arith.constant 0 : i32
        %dma_wait3A_992 = tpu.memref_slice %arg4[%select_n3A_979, %dma_wait3A_991] : memref<204800x128xf32, #tpu.memory_space<hbm>> -> memref<32x128xf32, #tpu.memory_space<hbm>>
        %dma_wait3A_993 = arith.constant 32 : i32
        %dma_wait3A_994 = arith.constant 0 : i32
        %dma_wait3A_995 = tpu.memref_slice %arg8[%dma_wait3A_980, %dma_wait3A_981, %dma_wait3A_993, %dma_wait3A_994] : memref<2x2x64x137xf32, #tpu.memory_space<vmem>> -> memref<1x1x32x128xf32, #tpu.memory_space<vmem>>
        %dma_wait3A_996 = tpu.memref_squeeze %dma_wait3A_995 : memref<1x1x32x128xf32, #tpu.memory_space<vmem>> -> memref<32x128xf32, #tpu.memory_space<vmem>>
        tpu.wait_dma2 semaphore(%dma_wait3A_990 : memref<!tpu.dma_semaphore, #tpu.memory_space<semaphore_mem>>) src(%dma_wait3A_996 : memref<32x128xf32, #tpu.memory_space<vmem>>) dst(%dma_wait3A_992 : memref<32x128xf32, #tpu.memory_space<hbm>>)
        %mul3A_997 = arith.constant 16384 : i32
        %mul3A_998 = arith.muli %sub3A_892, %mul3A_997 : i32
        %mul3A_999 = arith.constant 32 : i32
        %mul3A_1000 = arith.muli %mul3A_998, %mul3A_999 : i32
        %add3A_1001 = arith.constant 262144 : i32
        %add3A_1002 = arith.addi %mul3A_1000, %add3A_1001 : i32
        %mul3A_1003 = arith.constant 32 : i32
        %mul3A_1004 = arith.muli %add3A, %mul3A_1003 : i32
        %mul3A_1005 = arith.constant 128 : i32
        %mul3A_1006 = arith.muli %mul3A_1004, %mul3A_1005 : i32
        %add3A_1007 = arith.addi %add3A_1002, %mul3A_1006 : i32
        %jit3A_1008 = arith.constant 128 : i32
        %div3A_1009 = arith.divsi %add3A_1007, %jit3A_1008 : i32
        %sign3A_1010 = arith.constant 0 : i32
        %sign3A_1011 = arith.cmpi sgt, %add3A_1007, %sign3A_1010 : i32
        %sign3A_1012 = arith.extui %sign3A_1011 : i1 to i32
        %sign3A_1013 = arith.constant 0 : i32
        %sign3A_1014 = arith.cmpi slt, %add3A_1007, %sign3A_1013 : i32
        %sign3A_1015 = arith.extui %sign3A_1014 : i1 to i32
        %sign3A_1016 = arith.subi %sign3A_1012, %sign3A_1015 : i32
        %sign3A_1017 = arith.constant 0 : i32
        %sign3A_1018 = arith.cmpi sgt, %jit3A_1008, %sign3A_1017 : i32
        %sign3A_1019 = arith.extui %sign3A_1018 : i1 to i32
        %sign3A_1020 = arith.constant 0 : i32
        %sign3A_1021 = arith.cmpi slt, %jit3A_1008, %sign3A_1020 : i32
        %sign3A_1022 = arith.extui %sign3A_1021 : i1 to i32
        %sign3A_1023 = arith.subi %sign3A_1019, %sign3A_1022 : i32
        %ne3A_1024 = arith.cmpi ne, %sign3A_1016, %sign3A_1023 : i32
        %rem3A_1025 = arith.remsi %add3A_1007, %jit3A_1008 : i32
        %ne3A_1026 = arith.constant 0 : i32
        %ne3A_1027 = arith.cmpi ne, %rem3A_1025, %ne3A_1026 : i32
        %and3A_1028 = arith.andi %ne3A_1024, %ne3A_1027 : i1
        %sub3A_1029 = arith.constant 1 : i32
        %sub3A_1030 = arith.subi %div3A_1009, %sub3A_1029 : i32
        %select_n3A_1031 = arith.select %and3A_1028, %sub3A_1030, %div3A_1009 : i32
        %dma_wait3A_1032 = arith.constant 0 : i32
        %dma_wait3A_1033 = arith.constant 1 : i32
        %dma_wait3A_1034 = arith.constant 0 : i32
        %dma_wait3A_1035 = arith.constant 0 : i32
        %dma_wait3A_1036 = arith.constant 0 : i32
        %dma_wait3A_1037 = tpu.memref_slice %arg8[%dma_wait3A_1032, %dma_wait3A_1033, %dma_wait3A_1035, %dma_wait3A_1036] : memref<2x2x64x137xf32, #tpu.memory_space<vmem>> -> memref<1x1x32x128xf32, #tpu.memory_space<vmem>>
        %dma_wait3A_1038 = tpu.memref_squeeze %dma_wait3A_1037 : memref<1x1x32x128xf32, #tpu.memory_space<vmem>> -> memref<32x128xf32, #tpu.memory_space<vmem>>
        %dma_wait3A_1039 = arith.constant 0 : i32
        %dma_wait3A_1040 = tpu.memref_slice %arg4[%select_n3A_1031, %dma_wait3A_1039] : memref<204800x128xf32, #tpu.memory_space<hbm>> -> memref<32x128xf32, #tpu.memory_space<hbm>>
        %dma_wait3A_1041 = tpu.memref_slice %arg10[%dma_wait3A_1034] : memref<2x!tpu.dma_semaphore, #tpu.memory_space<semaphore_mem>> -> memref<1x!tpu.dma_semaphore, #tpu.memory_space<semaphore_mem>>
        %dma_wait3A_1042 = tpu.memref_squeeze %dma_wait3A_1041 : memref<1x!tpu.dma_semaphore, #tpu.memory_space<semaphore_mem>> -> memref<!tpu.dma_semaphore, #tpu.memory_space<semaphore_mem>>
        %dma_wait3A_1043 = arith.constant 0 : i32
        %dma_wait3A_1044 = tpu.memref_slice %arg4[%select_n3A_1031, %dma_wait3A_1043] : memref<204800x128xf32, #tpu.memory_space<hbm>> -> memref<32x128xf32, #tpu.memory_space<hbm>>
        %dma_wait3A_1045 = arith.constant 0 : i32
        %dma_wait3A_1046 = arith.constant 0 : i32
        %dma_wait3A_1047 = tpu.memref_slice %arg8[%dma_wait3A_1032, %dma_wait3A_1033, %dma_wait3A_1045, %dma_wait3A_1046] : memref<2x2x64x137xf32, #tpu.memory_space<vmem>> -> memref<1x1x32x128xf32, #tpu.memory_space<vmem>>
        %dma_wait3A_1048 = tpu.memref_squeeze %dma_wait3A_1047 : memref<1x1x32x128xf32, #tpu.memory_space<vmem>> -> memref<32x128xf32, #tpu.memory_space<vmem>>
        tpu.wait_dma2 semaphore(%dma_wait3A_1042 : memref<!tpu.dma_semaphore, #tpu.memory_space<semaphore_mem>>) src(%dma_wait3A_1048 : memref<32x128xf32, #tpu.memory_space<vmem>>) dst(%dma_wait3A_1044 : memref<32x128xf32, #tpu.memory_space<hbm>>)
        %mul3A_1049 = arith.constant 16384 : i32
        %mul3A_1050 = arith.muli %sub3A_892, %mul3A_1049 : i32
        %mul3A_1051 = arith.constant 32 : i32
        %mul3A_1052 = arith.muli %mul3A_1050, %mul3A_1051 : i32
        %add3A_1053 = arith.constant 393216 : i32
        %add3A_1054 = arith.addi %mul3A_1052, %add3A_1053 : i32
        %mul3A_1055 = arith.constant 32 : i32
        %mul3A_1056 = arith.muli %add3A, %mul3A_1055 : i32
        %mul3A_1057 = arith.constant 128 : i32
        %mul3A_1058 = arith.muli %mul3A_1056, %mul3A_1057 : i32
        %add3A_1059 = arith.addi %add3A_1054, %mul3A_1058 : i32
        %jit3A_1060 = arith.constant 128 : i32
        %div3A_1061 = arith.divsi %add3A_1059, %jit3A_1060 : i32
        %sign3A_1062 = arith.constant 0 : i32
        %sign3A_1063 = arith.cmpi sgt, %add3A_1059, %sign3A_1062 : i32
        %sign3A_1064 = arith.extui %sign3A_1063 : i1 to i32
        %sign3A_1065 = arith.constant 0 : i32
        %sign3A_1066 = arith.cmpi slt, %add3A_1059, %sign3A_1065 : i32
        %sign3A_1067 = arith.extui %sign3A_1066 : i1 to i32
        %sign3A_1068 = arith.subi %sign3A_1064, %sign3A_1067 : i32
        %sign3A_1069 = arith.constant 0 : i32
        %sign3A_1070 = arith.cmpi sgt, %jit3A_1060, %sign3A_1069 : i32
        %sign3A_1071 = arith.extui %sign3A_1070 : i1 to i32
        %sign3A_1072 = arith.constant 0 : i32
        %sign3A_1073 = arith.cmpi slt, %jit3A_1060, %sign3A_1072 : i32
        %sign3A_1074 = arith.extui %sign3A_1073 : i1 to i32
        %sign3A_1075 = arith.subi %sign3A_1071, %sign3A_1074 : i32
        %ne3A_1076 = arith.cmpi ne, %sign3A_1068, %sign3A_1075 : i32
        %rem3A_1077 = arith.remsi %add3A_1059, %jit3A_1060 : i32
        %ne3A_1078 = arith.constant 0 : i32
        %ne3A_1079 = arith.cmpi ne, %rem3A_1077, %ne3A_1078 : i32
        %and3A_1080 = arith.andi %ne3A_1076, %ne3A_1079 : i1
        %sub3A_1081 = arith.constant 1 : i32
        %sub3A_1082 = arith.subi %div3A_1061, %sub3A_1081 : i32
        %select_n3A_1083 = arith.select %and3A_1080, %sub3A_1082, %div3A_1061 : i32
        %dma_wait3A_1084 = arith.constant 0 : i32
        %dma_wait3A_1085 = arith.constant 1 : i32
        %dma_wait3A_1086 = arith.constant 0 : i32
        %dma_wait3A_1087 = arith.constant 32 : i32
        %dma_wait3A_1088 = arith.constant 0 : i32
        %dma_wait3A_1089 = tpu.memref_slice %arg8[%dma_wait3A_1084, %dma_wait3A_1085, %dma_wait3A_1087, %dma_wait3A_1088] : memref<2x2x64x137xf32, #tpu.memory_space<vmem>> -> memref<1x1x32x128xf32, #tpu.memory_space<vmem>>
        %dma_wait3A_1090 = tpu.memref_squeeze %dma_wait3A_1089 : memref<1x1x32x128xf32, #tpu.memory_space<vmem>> -> memref<32x128xf32, #tpu.memory_space<vmem>>
        %dma_wait3A_1091 = arith.constant 0 : i32
        %dma_wait3A_1092 = tpu.memref_slice %arg4[%select_n3A_1083, %dma_wait3A_1091] : memref<204800x128xf32, #tpu.memory_space<hbm>> -> memref<32x128xf32, #tpu.memory_space<hbm>>
        %dma_wait3A_1093 = tpu.memref_slice %arg10[%dma_wait3A_1086] : memref<2x!tpu.dma_semaphore, #tpu.memory_space<semaphore_mem>> -> memref<1x!tpu.dma_semaphore, #tpu.memory_space<semaphore_mem>>
        %dma_wait3A_1094 = tpu.memref_squeeze %dma_wait3A_1093 : memref<1x!tpu.dma_semaphore, #tpu.memory_space<semaphore_mem>> -> memref<!tpu.dma_semaphore, #tpu.memory_space<semaphore_mem>>
        %dma_wait3A_1095 = arith.constant 0 : i32
        %dma_wait3A_1096 = tpu.memref_slice %arg4[%select_n3A_1083, %dma_wait3A_1095] : memref<204800x128xf32, #tpu.memory_space<hbm>> -> memref<32x128xf32, #tpu.memory_space<hbm>>
        %dma_wait3A_1097 = arith.constant 32 : i32
        %dma_wait3A_1098 = arith.constant 0 : i32
        %dma_wait3A_1099 = tpu.memref_slice %arg8[%dma_wait3A_1084, %dma_wait3A_1085, %dma_wait3A_1097, %dma_wait3A_1098] : memref<2x2x64x137xf32, #tpu.memory_space<vmem>> -> memref<1x1x32x128xf32, #tpu.memory_space<vmem>>
        %dma_wait3A_1100 = tpu.memref_squeeze %dma_wait3A_1099 : memref<1x1x32x128xf32, #tpu.memory_space<vmem>> -> memref<32x128xf32, #tpu.memory_space<vmem>>
        tpu.wait_dma2 semaphore(%dma_wait3A_1094 : memref<!tpu.dma_semaphore, #tpu.memory_space<semaphore_mem>>) src(%dma_wait3A_1100 : memref<32x128xf32, #tpu.memory_space<vmem>>) dst(%dma_wait3A_1096 : memref<32x128xf32, #tpu.memory_space<hbm>>)
      } else {
      }
      %parallel_loop3A = arith.constant 0 : i32
      %parallel_loop3A_438 = arith.constant 512 : i32
      %parallel_loop3A_439 = arith.constant 1 : i32
      scf.for %parallel_loop3A_891 = %parallel_loop3A to %parallel_loop3A_438 step %parallel_loop3A_439  : i32 {
        %parallel_loop3A_892 = arith.constant 7 : i32
        %parallel_loop3A_893 = arith.shrui %parallel_loop3A_891, %parallel_loop3A_892 : i32
        %parallel_loop3A_894 = arith.constant 8 : i32
        %parallel_loop3A_895 = arith.muli %parallel_loop3A_893, %parallel_loop3A_894 : i32
        %parallel_loop3A_896 = vector.broadcast %parallel_loop3A_895 : i32 to vector<16xi32>
        %parallel_loop3A_897 = arith.addi %add3A_19, %parallel_loop3A_896 : vector<16xi32>
        %parallel_loop3A_898 = arith.constant 0 : i32
        %parallel_loop3A_899 = vector.broadcast %parallel_loop3A_898 : i32 to vector<16xi32>
        %parallel_loop3A_900 = arith.muli %iota3A, %parallel_loop3A_899 : vector<16xi32>
        %parallel_loop3A_901 = arith.constant 127 : i32
        %parallel_loop3A_902 = arith.andi %parallel_loop3A_891, %parallel_loop3A_901 : i32
        %parallel_loop3A_903 = vector.broadcast %parallel_loop3A_902 : i32 to vector<16xi32>
        %parallel_loop3A_904 = arith.addi %parallel_loop3A_900, %parallel_loop3A_903 : vector<16xi32>
        %parallel_loop3A_905 = arith.constant 0 : i32
        %parallel_loop3A_906 = arith.index_cast %parallel_loop3A_905 : i32 to index
        %parallel_loop3A_907 = arith.index_cast %parallel_loop3A_891 : i32 to index
        %parallel_loop3A_908 = arith.constant 0 : index
        %parallel_loop3A_909 = tpu.vector_load %arg7[%parallel_loop3A_906, %parallel_loop3A_907, %parallel_loop3A_908] {strides = array<i32>} : memref<2x512x32xf32, #tpu.memory_space<vmem>>, vector<16xf32>,
        %parallel_loop3A_910 = arith.constant 0 : i32
        %parallel_loop3A_911 = arith.constant 0 : i32
        %parallel_loop3A_912 = arith.constant 0 : i32
        %parallel_loop3A_913 = arith.constant 0 : i32
        %parallel_loop3A_914 = tpu.memref_slice %arg8[%parallel_loop3A_910, %parallel_loop3A_911, %parallel_loop3A_912, %parallel_loop3A_913] : memref<2x2x64x137xf32, #tpu.memory_space<vmem>> -> memref<1x1x64x137xf32, #tpu.memory_space<vmem>>
        %parallel_loop3A_915 = tpu.memref_squeeze %parallel_loop3A_914 : memref<1x1x64x137xf32, #tpu.memory_space<vmem>> -> memref<64x137xf32, #tpu.memory_space<vmem>>
        tpu.vector_store_idx %parallel_loop3A_915[%parallel_loop3A_897, %parallel_loop3A_904], %parallel_loop3A_909 : memref<64x137xf32, #tpu.memory_space<vmem>>[vector<16xi32>, vector<16xi32>], vector<16xf32>,
        %parallel_loop3A_916 = arith.constant 0 : i32
        %parallel_loop3A_917 = arith.index_cast %parallel_loop3A_916 : i32 to index
        %parallel_loop3A_918 = arith.index_cast %parallel_loop3A_891 : i32 to index
        %parallel_loop3A_919 = arith.constant 16 : index
        %parallel_loop3A_920 = tpu.vector_load %arg7[%parallel_loop3A_917, %parallel_loop3A_918, %parallel_loop3A_919] {strides = array<i32>} : memref<2x512x32xf32, #tpu.memory_space<vmem>>, vector<16xf32>,
        %parallel_loop3A_921 = arith.constant 0 : i32
        %parallel_loop3A_922 = arith.constant 1 : i32
        %parallel_loop3A_923 = arith.constant 0 : i32
        %parallel_loop3A_924 = arith.constant 0 : i32
        %parallel_loop3A_925 = tpu.memref_slice %arg8[%parallel_loop3A_921, %parallel_loop3A_922, %parallel_loop3A_923, %parallel_loop3A_924] : memref<2x2x64x137xf32, #tpu.memory_space<vmem>> -> memref<1x1x64x137xf32, #tpu.memory_space<vmem>>
        %parallel_loop3A_926 = tpu.memref_squeeze %parallel_loop3A_925 : memref<1x1x64x137xf32, #tpu.memory_space<vmem>> -> memref<64x137xf32, #tpu.memory_space<vmem>>
        tpu.vector_store_idx %parallel_loop3A_926[%parallel_loop3A_897, %parallel_loop3A_904], %parallel_loop3A_920 : memref<64x137xf32, #tpu.memory_space<vmem>>[vector<16xi32>, vector<16xi32>], vector<16xf32>,
      } {sc.loop_unroll_factor = 8 : i64, sc.parallel_access}
      %mul3A_440 = arith.constant 16384 : i32
      %mul3A_441 = arith.muli %add3A_414, %mul3A_440 : i32
      %mul3A_442 = arith.constant 32 : i32
      %mul3A_443 = arith.muli %mul3A_441, %mul3A_442 : i32
      %add3A_444 = arith.constant 0 : i32
      %add3A_445 = arith.addi %mul3A_443, %add3A_444 : i32
      %mul3A_446 = arith.constant 32 : i32
      %mul3A_447 = arith.muli %add3A, %mul3A_446 : i32
      %mul3A_448 = arith.constant 128 : i32
      %mul3A_449 = arith.muli %mul3A_447, %mul3A_448 : i32
      %add3A_450 = arith.addi %add3A_445, %mul3A_449 : i32
      %jit3A_451 = arith.constant 128 : i32
      %div3A_452 = arith.divsi %add3A_450, %jit3A_451 : i32
      %sign3A_453 = arith.constant 0 : i32
      %sign3A_454 = arith.cmpi sgt, %add3A_450, %sign3A_453 : i32
      %sign3A_455 = arith.extui %sign3A_454 : i1 to i32
      %sign3A_456 = arith.constant 0 : i32
      %sign3A_457 = arith.cmpi slt, %add3A_450, %sign3A_456 : i32
      %sign3A_458 = arith.extui %sign3A_457 : i1 to i32
      %sign3A_459 = arith.subi %sign3A_455, %sign3A_458 : i32
      %sign3A_460 = arith.constant 0 : i32
      %sign3A_461 = arith.cmpi sgt, %jit3A_451, %sign3A_460 : i32
      %sign3A_462 = arith.extui %sign3A_461 : i1 to i32
      %sign3A_463 = arith.constant 0 : i32
      %sign3A_464 = arith.cmpi slt, %jit3A_451, %sign3A_463 : i32
      %sign3A_465 = arith.extui %sign3A_464 : i1 to i32
      %sign3A_466 = arith.subi %sign3A_462, %sign3A_465 : i32
      %ne3A_467 = arith.cmpi ne, %sign3A_459, %sign3A_466 : i32
      %rem3A_468 = arith.remsi %add3A_450, %jit3A_451 : i32
      %ne3A_469 = arith.constant 0 : i32
      %ne3A_470 = arith.cmpi ne, %rem3A_468, %ne3A_469 : i32
      %and3A_471 = arith.andi %ne3A_467, %ne3A_470 : i1
      %sub3A_472 = arith.constant 1 : i32
      %sub3A_473 = arith.subi %div3A_452, %sub3A_472 : i32
      %select_n3A_474 = arith.select %and3A_471, %sub3A_473, %div3A_452 : i32
      %dma_start3A_475 = arith.constant 0 : i32
      %dma_start3A_476 = arith.constant 0 : i32
      %dma_start3A_477 = arith.constant 0 : i32
      %dma_start3A_478 = arith.constant 0 : i32
      %dma_start3A_479 = arith.constant 0 : i32
      %dma_start3A_480 = tpu.memref_slice %arg8[%dma_start3A_475, %dma_start3A_476, %dma_start3A_478, %dma_start3A_479] : memref<2x2x64x137xf32, #tpu.memory_space<vmem>> -> memref<1x1x32x128xf32, #tpu.memory_space<vmem>>
      %dma_start3A_481 = tpu.memref_squeeze %dma_start3A_480 : memref<1x1x32x128xf32, #tpu.memory_space<vmem>> -> memref<32x128xf32, #tpu.memory_space<vmem>>
      %dma_start3A_482 = arith.constant 0 : i32
      %dma_start3A_483 = tpu.memref_slice %arg4[%select_n3A_474, %dma_start3A_482] : memref<204800x128xf32, #tpu.memory_space<hbm>> -> memref<32x128xf32, #tpu.memory_space<hbm>>
      %dma_start3A_484 = tpu.memref_slice %arg10[%dma_start3A_477] : memref<2x!tpu.dma_semaphore, #tpu.memory_space<semaphore_mem>> -> memref<1x!tpu.dma_semaphore, #tpu.memory_space<semaphore_mem>>
      %dma_start3A_485 = tpu.memref_squeeze %dma_start3A_484 : memref<1x!tpu.dma_semaphore, #tpu.memory_space<semaphore_mem>> -> memref<!tpu.dma_semaphore, #tpu.memory_space<semaphore_mem>>
      %dma_start3A_486 = arith.constant 0 : i32
      %dma_start3A_487 = tpu.memref_slice %arg4[%select_n3A_474, %dma_start3A_486] : memref<204800x128xf32, #tpu.memory_space<hbm>> -> memref<32x128xf32, #tpu.memory_space<hbm>>
      %dma_start3A_488 = arith.constant 0 : i32
      %dma_start3A_489 = arith.constant 0 : i32
      %dma_start3A_490 = tpu.memref_slice %arg8[%dma_start3A_475, %dma_start3A_476, %dma_start3A_488, %dma_start3A_489] : memref<2x2x64x137xf32, #tpu.memory_space<vmem>> -> memref<1x1x32x128xf32, #tpu.memory_space<vmem>>
      %dma_start3A_491 = tpu.memref_squeeze %dma_start3A_490 : memref<1x1x32x128xf32, #tpu.memory_space<vmem>> -> memref<32x128xf32, #tpu.memory_space<vmem>>
      tpu.enqueue_dma source(%dma_start3A_491 : memref<32x128xf32, #tpu.memory_space<vmem>>) target(%dma_start3A_487 : memref<32x128xf32, #tpu.memory_space<hbm>>) target_semaphore(%dma_start3A_485 : memref<!tpu.dma_semaphore, #tpu.memory_space<semaphore_mem>>)
      %mul3A_492 = arith.constant 16384 : i32
      %mul3A_493 = arith.muli %add3A_414, %mul3A_492 : i32
      %mul3A_494 = arith.constant 32 : i32
      %mul3A_495 = arith.muli %mul3A_493, %mul3A_494 : i32
      %add3A_496 = arith.constant 131072 : i32
      %add3A_497 = arith.addi %mul3A_495, %add3A_496 : i32
      %mul3A_498 = arith.constant 32 : i32
      %mul3A_499 = arith.muli %add3A, %mul3A_498 : i32
      %mul3A_500 = arith.constant 128 : i32
      %mul3A_501 = arith.muli %mul3A_499, %mul3A_500 : i32
      %add3A_502 = arith.addi %add3A_497, %mul3A_501 : i32
      %jit3A_503 = arith.constant 128 : i32
      %div3A_504 = arith.divsi %add3A_502, %jit3A_503 : i32
      %sign3A_505 = arith.constant 0 : i32
      %sign3A_506 = arith.cmpi sgt, %add3A_502, %sign3A_505 : i32
      %sign3A_507 = arith.extui %sign3A_506 : i1 to i32
      %sign3A_508 = arith.constant 0 : i32
      %sign3A_509 = arith.cmpi slt, %add3A_502, %sign3A_508 : i32
      %sign3A_510 = arith.extui %sign3A_509 : i1 to i32
      %sign3A_511 = arith.subi %sign3A_507, %sign3A_510 : i32
      %sign3A_512 = arith.constant 0 : i32
      %sign3A_513 = arith.cmpi sgt, %jit3A_503, %sign3A_512 : i32
      %sign3A_514 = arith.extui %sign3A_513 : i1 to i32
      %sign3A_515 = arith.constant 0 : i32
      %sign3A_516 = arith.cmpi slt, %jit3A_503, %sign3A_515 : i32
      %sign3A_517 = arith.extui %sign3A_516 : i1 to i32
      %sign3A_518 = arith.subi %sign3A_514, %sign3A_517 : i32
      %ne3A_519 = arith.cmpi ne, %sign3A_511, %sign3A_518 : i32
      %rem3A_520 = arith.remsi %add3A_502, %jit3A_503 : i32
      %ne3A_521 = arith.constant 0 : i32
      %ne3A_522 = arith.cmpi ne, %rem3A_520, %ne3A_521 : i32
      %and3A_523 = arith.andi %ne3A_519, %ne3A_522 : i1
      %sub3A_524 = arith.constant 1 : i32
      %sub3A_525 = arith.subi %div3A_504, %sub3A_524 : i32
      %select_n3A_526 = arith.select %and3A_523, %sub3A_525, %div3A_504 : i32
      %dma_start3A_527 = arith.constant 0 : i32
      %dma_start3A_528 = arith.constant 0 : i32
      %dma_start3A_529 = arith.constant 0 : i32
      %dma_start3A_530 = arith.constant 32 : i32
      %dma_start3A_531 = arith.constant 0 : i32
      %dma_start3A_532 = tpu.memref_slice %arg8[%dma_start3A_527, %dma_start3A_528, %dma_start3A_530, %dma_start3A_531] : memref<2x2x64x137xf32, #tpu.memory_space<vmem>> -> memref<1x1x32x128xf32, #tpu.memory_space<vmem>>
      %dma_start3A_533 = tpu.memref_squeeze %dma_start3A_532 : memref<1x1x32x128xf32, #tpu.memory_space<vmem>> -> memref<32x128xf32, #tpu.memory_space<vmem>>
      %dma_start3A_534 = arith.constant 0 : i32
      %dma_start3A_535 = tpu.memref_slice %arg4[%select_n3A_526, %dma_start3A_534] : memref<204800x128xf32, #tpu.memory_space<hbm>> -> memref<32x128xf32, #tpu.memory_space<hbm>>
      %dma_start3A_536 = tpu.memref_slice %arg10[%dma_start3A_529] : memref<2x!tpu.dma_semaphore, #tpu.memory_space<semaphore_mem>> -> memref<1x!tpu.dma_semaphore, #tpu.memory_space<semaphore_mem>>
      %dma_start3A_537 = tpu.memref_squeeze %dma_start3A_536 : memref<1x!tpu.dma_semaphore, #tpu.memory_space<semaphore_mem>> -> memref<!tpu.dma_semaphore, #tpu.memory_space<semaphore_mem>>
      %dma_start3A_538 = arith.constant 0 : i32
      %dma_start3A_539 = tpu.memref_slice %arg4[%select_n3A_526, %dma_start3A_538] : memref<204800x128xf32, #tpu.memory_space<hbm>> -> memref<32x128xf32, #tpu.memory_space<hbm>>
      %dma_start3A_540 = arith.constant 32 : i32
      %dma_start3A_541 = arith.constant 0 : i32
      %dma_start3A_542 = tpu.memref_slice %arg8[%dma_start3A_527, %dma_start3A_528, %dma_start3A_540, %dma_start3A_541] : memref<2x2x64x137xf32, #tpu.memory_space<vmem>> -> memref<1x1x32x128xf32, #tpu.memory_space<vmem>>
      %dma_start3A_543 = tpu.memref_squeeze %dma_start3A_542 : memref<1x1x32x128xf32, #tpu.memory_space<vmem>> -> memref<32x128xf32, #tpu.memory_space<vmem>>
      tpu.enqueue_dma source(%dma_start3A_543 : memref<32x128xf32, #tpu.memory_space<vmem>>) target(%dma_start3A_539 : memref<32x128xf32, #tpu.memory_space<hbm>>) target_semaphore(%dma_start3A_537 : memref<!tpu.dma_semaphore, #tpu.memory_space<semaphore_mem>>)
      %mul3A_544 = arith.constant 16384 : i32
      %mul3A_545 = arith.muli %add3A_414, %mul3A_544 : i32
      %mul3A_546 = arith.constant 32 : i32
      %mul3A_547 = arith.muli %mul3A_545, %mul3A_546 : i32
      %add3A_548 = arith.constant 262144 : i32
      %add3A_549 = arith.addi %mul3A_547, %add3A_548 : i32
      %mul3A_550 = arith.constant 32 : i32
      %mul3A_551 = arith.muli %add3A, %mul3A_550 : i32
      %mul3A_552 = arith.constant 128 : i32
      %mul3A_553 = arith.muli %mul3A_551, %mul3A_552 : i32
      %add3A_554 = arith.addi %add3A_549, %mul3A_553 : i32
      %jit3A_555 = arith.constant 128 : i32
      %div3A_556 = arith.divsi %add3A_554, %jit3A_555 : i32
      %sign3A_557 = arith.constant 0 : i32
      %sign3A_558 = arith.cmpi sgt, %add3A_554, %sign3A_557 : i32
      %sign3A_559 = arith.extui %sign3A_558 : i1 to i32
      %sign3A_560 = arith.constant 0 : i32
      %sign3A_561 = arith.cmpi slt, %add3A_554, %sign3A_560 : i32
      %sign3A_562 = arith.extui %sign3A_561 : i1 to i32
      %sign3A_563 = arith.subi %sign3A_559, %sign3A_562 : i32
      %sign3A_564 = arith.constant 0 : i32
      %sign3A_565 = arith.cmpi sgt, %jit3A_555, %sign3A_564 : i32
      %sign3A_566 = arith.extui %sign3A_565 : i1 to i32
      %sign3A_567 = arith.constant 0 : i32
      %sign3A_568 = arith.cmpi slt, %jit3A_555, %sign3A_567 : i32
      %sign3A_569 = arith.extui %sign3A_568 : i1 to i32
      %sign3A_570 = arith.subi %sign3A_566, %sign3A_569 : i32
      %ne3A_571 = arith.cmpi ne, %sign3A_563, %sign3A_570 : i32
      %rem3A_572 = arith.remsi %add3A_554, %jit3A_555 : i32
      %ne3A_573 = arith.constant 0 : i32
      %ne3A_574 = arith.cmpi ne, %rem3A_572, %ne3A_573 : i32
      %and3A_575 = arith.andi %ne3A_571, %ne3A_574 : i1
      %sub3A_576 = arith.constant 1 : i32
      %sub3A_577 = arith.subi %div3A_556, %sub3A_576 : i32
      %select_n3A_578 = arith.select %and3A_575, %sub3A_577, %div3A_556 : i32
      %dma_start3A_579 = arith.constant 0 : i32
      %dma_start3A_580 = arith.constant 1 : i32
      %dma_start3A_581 = arith.constant 0 : i32
      %dma_start3A_582 = arith.constant 0 : i32
      %dma_start3A_583 = arith.constant 0 : i32
      %dma_start3A_584 = tpu.memref_slice %arg8[%dma_start3A_579, %dma_start3A_580, %dma_start3A_582, %dma_start3A_583] : memref<2x2x64x137xf32, #tpu.memory_space<vmem>> -> memref<1x1x32x128xf32, #tpu.memory_space<vmem>>
      %dma_start3A_585 = tpu.memref_squeeze %dma_start3A_584 : memref<1x1x32x128xf32, #tpu.memory_space<vmem>> -> memref<32x128xf32, #tpu.memory_space<vmem>>
      %dma_start3A_586 = arith.constant 0 : i32
      %dma_start3A_587 = tpu.memref_slice %arg4[%select_n3A_578, %dma_start3A_586] : memref<204800x128xf32, #tpu.memory_space<hbm>> -> memref<32x128xf32, #tpu.memory_space<hbm>>
      %dma_start3A_588 = tpu.memref_slice %arg10[%dma_start3A_581] : memref<2x!tpu.dma_semaphore, #tpu.memory_space<semaphore_mem>> -> memref<1x!tpu.dma_semaphore, #tpu.memory_space<semaphore_mem>>
      %dma_start3A_589 = tpu.memref_squeeze %dma_start3A_588 : memref<1x!tpu.dma_semaphore, #tpu.memory_space<semaphore_mem>> -> memref<!tpu.dma_semaphore, #tpu.memory_space<semaphore_mem>>
      %dma_start3A_590 = arith.constant 0 : i32
      %dma_start3A_591 = tpu.memref_slice %arg4[%select_n3A_578, %dma_start3A_590] : memref<204800x128xf32, #tpu.memory_space<hbm>> -> memref<32x128xf32, #tpu.memory_space<hbm>>
      %dma_start3A_592 = arith.constant 0 : i32
      %dma_start3A_593 = arith.constant 0 : i32
      %dma_start3A_594 = tpu.memref_slice %arg8[%dma_start3A_579, %dma_start3A_580, %dma_start3A_592, %dma_start3A_593] : memref<2x2x64x137xf32, #tpu.memory_space<vmem>> -> memref<1x1x32x128xf32, #tpu.memory_space<vmem>>
      %dma_start3A_595 = tpu.memref_squeeze %dma_start3A_594 : memref<1x1x32x128xf32, #tpu.memory_space<vmem>> -> memref<32x128xf32, #tpu.memory_space<vmem>>
      tpu.enqueue_dma source(%dma_start3A_595 : memref<32x128xf32, #tpu.memory_space<vmem>>) target(%dma_start3A_591 : memref<32x128xf32, #tpu.memory_space<hbm>>) target_semaphore(%dma_start3A_589 : memref<!tpu.dma_semaphore, #tpu.memory_space<semaphore_mem>>)
      %mul3A_596 = arith.constant 16384 : i32
      %mul3A_597 = arith.muli %add3A_414, %mul3A_596 : i32
      %mul3A_598 = arith.constant 32 : i32
      %mul3A_599 = arith.muli %mul3A_597, %mul3A_598 : i32
      %add3A_600 = arith.constant 393216 : i32
      %add3A_601 = arith.addi %mul3A_599, %add3A_600 : i32
      %mul3A_602 = arith.constant 32 : i32
      %mul3A_603 = arith.muli %add3A, %mul3A_602 : i32
      %mul3A_604 = arith.constant 128 : i32
      %mul3A_605 = arith.muli %mul3A_603, %mul3A_604 : i32
      %add3A_606 = arith.addi %add3A_601, %mul3A_605 : i32
      %jit3A_607 = arith.constant 128 : i32
      %div3A_608 = arith.divsi %add3A_606, %jit3A_607 : i32
      %sign3A_609 = arith.constant 0 : i32
      %sign3A_610 = arith.cmpi sgt, %add3A_606, %sign3A_609 : i32
      %sign3A_611 = arith.extui %sign3A_610 : i1 to i32
      %sign3A_612 = arith.constant 0 : i32
      %sign3A_613 = arith.cmpi slt, %add3A_606, %sign3A_612 : i32
      %sign3A_614 = arith.extui %sign3A_613 : i1 to i32
      %sign3A_615 = arith.subi %sign3A_611, %sign3A_614 : i32
      %sign3A_616 = arith.constant 0 : i32
      %sign3A_617 = arith.cmpi sgt, %jit3A_607, %sign3A_616 : i32
      %sign3A_618 = arith.extui %sign3A_617 : i1 to i32
      %sign3A_619 = arith.constant 0 : i32
      %sign3A_620 = arith.cmpi slt, %jit3A_607, %sign3A_619 : i32
      %sign3A_621 = arith.extui %sign3A_620 : i1 to i32
      %sign3A_622 = arith.subi %sign3A_618, %sign3A_621 : i32
      %ne3A_623 = arith.cmpi ne, %sign3A_615, %sign3A_622 : i32
      %rem3A_624 = arith.remsi %add3A_606, %jit3A_607 : i32
      %ne3A_625 = arith.constant 0 : i32
      %ne3A_626 = arith.cmpi ne, %rem3A_624, %ne3A_625 : i32
      %and3A_627 = arith.andi %ne3A_623, %ne3A_626 : i1
      %sub3A_628 = arith.constant 1 : i32
      %sub3A_629 = arith.subi %div3A_608, %sub3A_628 : i32
      %select_n3A_630 = arith.select %and3A_627, %sub3A_629, %div3A_608 : i32
      %dma_start3A_631 = arith.constant 0 : i32
      %dma_start3A_632 = arith.constant 1 : i32
      %dma_start3A_633 = arith.constant 0 : i32
      %dma_start3A_634 = arith.constant 32 : i32
      %dma_start3A_635 = arith.constant 0 : i32
      %dma_start3A_636 = tpu.memref_slice %arg8[%dma_start3A_631, %dma_start3A_632, %dma_start3A_634, %dma_start3A_635] : memref<2x2x64x137xf32, #tpu.memory_space<vmem>> -> memref<1x1x32x128xf32, #tpu.memory_space<vmem>>
      %dma_start3A_637 = tpu.memref_squeeze %dma_start3A_636 : memref<1x1x32x128xf32, #tpu.memory_space<vmem>> -> memref<32x128xf32, #tpu.memory_space<vmem>>
      %dma_start3A_638 = arith.constant 0 : i32
      %dma_start3A_639 = tpu.memref_slice %arg4[%select_n3A_630, %dma_start3A_638] : memref<204800x128xf32, #tpu.memory_space<hbm>> -> memref<32x128xf32, #tpu.memory_space<hbm>>
      %dma_start3A_640 = tpu.memref_slice %arg10[%dma_start3A_633] : memref<2x!tpu.dma_semaphore, #tpu.memory_space<semaphore_mem>> -> memref<1x!tpu.dma_semaphore, #tpu.memory_space<semaphore_mem>>
      %dma_start3A_641 = tpu.memref_squeeze %dma_start3A_640 : memref<1x!tpu.dma_semaphore, #tpu.memory_space<semaphore_mem>> -> memref<!tpu.dma_semaphore, #tpu.memory_space<semaphore_mem>>
      %dma_start3A_642 = arith.constant 0 : i32
      %dma_start3A_643 = tpu.memref_slice %arg4[%select_n3A_630, %dma_start3A_642] : memref<204800x128xf32, #tpu.memory_space<hbm>> -> memref<32x128xf32, #tpu.memory_space<hbm>>
      %dma_start3A_644 = arith.constant 32 : i32
      %dma_start3A_645 = arith.constant 0 : i32
      %dma_start3A_646 = tpu.memref_slice %arg8[%dma_start3A_631, %dma_start3A_632, %dma_start3A_644, %dma_start3A_645] : memref<2x2x64x137xf32, #tpu.memory_space<vmem>> -> memref<1x1x32x128xf32, #tpu.memory_space<vmem>>
      %dma_start3A_647 = tpu.memref_squeeze %dma_start3A_646 : memref<1x1x32x128xf32, #tpu.memory_space<vmem>> -> memref<32x128xf32, #tpu.memory_space<vmem>>
      tpu.enqueue_dma source(%dma_start3A_647 : memref<32x128xf32, #tpu.memory_space<vmem>>) target(%dma_start3A_643 : memref<32x128xf32, #tpu.memory_space<hbm>>) target_semaphore(%dma_start3A_641 : memref<!tpu.dma_semaphore, #tpu.memory_space<semaphore_mem>>)
      %mul3A_648 = arith.constant 2 : i32
      %mul3A_649 = arith.muli %scan3A_409, %mul3A_648 : i32
      %add3A_650 = arith.constant 1 : i32
      %add3A_651 = arith.addi %mul3A_649, %add3A_650 : i32
      %add3A_652 = arith.constant 1 : i32
      %add3A_653 = arith.addi %add3A_651, %add3A_652 : i32
      %lt3A_654 = arith.constant 50 : i32
      %lt3A_655 = arith.cmpi slt, %add3A_653, %lt3A_654 : i32
      %convert_element_type3A_656 = arith.extui %lt3A_655 : i1 to i32
      %cond3A_657 = arith.constant 0 : i32
      %cond3A_658 = arith.cmpi ne, %convert_element_type3A_656, %cond3A_657 : i32
      scf.if %cond3A_658 {
        %add3A_891 = arith.constant 1 : i32
        %add3A_892 = arith.addi %add3A_651, %add3A_891 : i32
        %dma_start3A_893 = arith.constant 0 : i32
        %dma_start3A_894 = arith.constant 0 : i32
        %dma_start3A_895 = arith.constant 0 : i32
        %dma_start3A_896 = arith.constant 0 : i32
        %dma_start3A_897 = tpu.memref_slice %arg7[%dma_start3A_893, %dma_start3A_895, %dma_start3A_896] : memref<2x512x32xf32, #tpu.memory_space<vmem>> -> memref<1x512x32xf32, #tpu.memory_space<vmem>>
        %dma_start3A_898 = tpu.memref_squeeze %dma_start3A_897 : memref<1x512x32xf32, #tpu.memory_space<vmem>> -> memref<512x32xf32, #tpu.memory_space<vmem>>
        %dma_start3A_899 = arith.constant 0 : i32
        %dma_start3A_900 = tpu.memref_slice %arg6[%add3A_892, %dma_start3A_899] : memref<50x512xi32, #tpu.memory_space<vmem>> -> memref<1x512xi32, #tpu.memory_space<vmem>>
        %dma_start3A_901 = tpu.memref_squeeze %dma_start3A_900 : memref<1x512xi32, #tpu.memory_space<vmem>> -> memref<512xi32, #tpu.memory_space<vmem>>
        %dma_start3A_902 = arith.constant 0 : i32
        %dma_start3A_903 = arith.constant 0 : i32
        %dma_start3A_904 = tpu.memref_slice %arg3[%dma_start3A_902, %dma_start3A_903] : memref<1000000x32xf32, #tpu.memory_space<hbm>> -> memref<1000000x32xf32, #tpu.memory_space<hbm>>
        %dma_start3A_905 = tpu.memref_slice %arg9[%dma_start3A_894] : memref<2x!tpu.dma_semaphore, #tpu.memory_space<semaphore_mem>> -> memref<1x!tpu.dma_semaphore, #tpu.memory_space<semaphore_mem>>
        %dma_start3A_906 = tpu.memref_squeeze %dma_start3A_905 : memref<1x!tpu.dma_semaphore, #tpu.memory_space<semaphore_mem>> -> memref<!tpu.dma_semaphore, #tpu.memory_space<semaphore_mem>>
        tpu.enqueue_indirect_dma source(%dma_start3A_904 : memref<1000000x32xf32, #tpu.memory_space<hbm>>) target(%dma_start3A_898 : memref<512x32xf32, #tpu.memory_space<vmem>>) offsets(%dma_start3A_901 : memref<512xi32, #tpu.memory_space<vmem>>) semaphore(%dma_start3A_906 : memref<!tpu.dma_semaphore, #tpu.memory_space<semaphore_mem>>)
      } else {
      }
      %dma_wait3A_659 = arith.constant 0 : i32
      %dma_wait3A_660 = arith.constant 1 : i32
      %dma_wait3A_661 = arith.constant 1 : i32
      %dma_wait3A_662 = arith.constant 0 : i32
      %dma_wait3A_663 = arith.constant 0 : i32
      %dma_wait3A_664 = tpu.memref_slice %arg7[%dma_wait3A_660, %dma_wait3A_662, %dma_wait3A_663] : memref<2x512x32xf32, #tpu.memory_space<vmem>> -> memref<1x512x32xf32, #tpu.memory_space<vmem>>
      %dma_wait3A_665 = tpu.memref_squeeze %dma_wait3A_664 : memref<1x512x32xf32, #tpu.memory_space<vmem>> -> memref<512x32xf32, #tpu.memory_space<vmem>>
      %dma_wait3A_666 = arith.constant 0 : i32
      %dma_wait3A_667 = tpu.memref_slice %arg6[%dma_wait3A_659, %dma_wait3A_666] : memref<50x512xi32, #tpu.memory_space<vmem>> -> memref<1x512xi32, #tpu.memory_space<vmem>>
      %dma_wait3A_668 = tpu.memref_squeeze %dma_wait3A_667 : memref<1x512xi32, #tpu.memory_space<vmem>> -> memref<512xi32, #tpu.memory_space<vmem>>
      %dma_wait3A_669 = arith.constant 0 : i32
      %dma_wait3A_670 = arith.constant 0 : i32
      %dma_wait3A_671 = tpu.memref_slice %arg3[%dma_wait3A_669, %dma_wait3A_670] : memref<1000000x32xf32, #tpu.memory_space<hbm>> -> memref<1000000x32xf32, #tpu.memory_space<hbm>>
      %dma_wait3A_672 = tpu.memref_slice %arg9[%dma_wait3A_661] : memref<2x!tpu.dma_semaphore, #tpu.memory_space<semaphore_mem>> -> memref<1x!tpu.dma_semaphore, #tpu.memory_space<semaphore_mem>>
      %dma_wait3A_673 = tpu.memref_squeeze %dma_wait3A_672 : memref<1x!tpu.dma_semaphore, #tpu.memory_space<semaphore_mem>> -> memref<!tpu.dma_semaphore, #tpu.memory_space<semaphore_mem>>
      tpu.wait_indirect_dma semaphore(%dma_wait3A_673 : memref<!tpu.dma_semaphore, #tpu.memory_space<semaphore_mem>>) src(%dma_wait3A_671 : memref<1000000x32xf32, #tpu.memory_space<hbm>>) dst(%dma_wait3A_665 : memref<512x32xf32, #tpu.memory_space<vmem>>)
      %ge3A_674 = arith.constant 1 : i32
      %ge3A_675 = arith.cmpi sge, %scan3A_409, %ge3A_674 : i32
      %convert_element_type3A_676 = arith.extui %ge3A_675 : i1 to i32
      %cond3A_677 = arith.constant 0 : i32
      %cond3A_678 = arith.cmpi ne, %convert_element_type3A_676, %cond3A_677 : i32
      scf.if %cond3A_678 {
        %sub3A_891 = arith.constant 2 : i32
        %sub3A_892 = arith.subi %add3A_651, %sub3A_891 : i32
        %mul3A_893 = arith.constant 16384 : i32
        %mul3A_894 = arith.muli %sub3A_892, %mul3A_893 : i32
        %mul3A_895 = arith.constant 32 : i32
        %mul3A_896 = arith.muli %mul3A_894, %mul3A_895 : i32
        %add3A_897 = arith.constant 0 : i32
        %add3A_898 = arith.addi %mul3A_896, %add3A_897 : i32
        %mul3A_899 = arith.constant 32 : i32
        %mul3A_900 = arith.muli %add3A, %mul3A_899 : i32
        %mul3A_901 = arith.constant 128 : i32
        %mul3A_902 = arith.muli %mul3A_900, %mul3A_901 : i32
        %add3A_903 = arith.addi %add3A_898, %mul3A_902 : i32
        %jit3A_904 = arith.constant 128 : i32
        %div3A_905 = arith.divsi %add3A_903, %jit3A_904 : i32
        %sign3A_906 = arith.constant 0 : i32
        %sign3A_907 = arith.cmpi sgt, %add3A_903, %sign3A_906 : i32
        %sign3A_908 = arith.extui %sign3A_907 : i1 to i32
        %sign3A_909 = arith.constant 0 : i32
        %sign3A_910 = arith.cmpi slt, %add3A_903, %sign3A_909 : i32
        %sign3A_911 = arith.extui %sign3A_910 : i1 to i32
        %sign3A_912 = arith.subi %sign3A_908, %sign3A_911 : i32
        %sign3A_913 = arith.constant 0 : i32
        %sign3A_914 = arith.cmpi sgt, %jit3A_904, %sign3A_913 : i32
        %sign3A_915 = arith.extui %sign3A_914 : i1 to i32
        %sign3A_916 = arith.constant 0 : i32
        %sign3A_917 = arith.cmpi slt, %jit3A_904, %sign3A_916 : i32
        %sign3A_918 = arith.extui %sign3A_917 : i1 to i32
        %sign3A_919 = arith.subi %sign3A_915, %sign3A_918 : i32
        %ne3A_920 = arith.cmpi ne, %sign3A_912, %sign3A_919 : i32
        %rem3A_921 = arith.remsi %add3A_903, %jit3A_904 : i32
        %ne3A_922 = arith.constant 0 : i32
        %ne3A_923 = arith.cmpi ne, %rem3A_921, %ne3A_922 : i32
        %and3A_924 = arith.andi %ne3A_920, %ne3A_923 : i1
        %sub3A_925 = arith.constant 1 : i32
        %sub3A_926 = arith.subi %div3A_905, %sub3A_925 : i32
        %select_n3A_927 = arith.select %and3A_924, %sub3A_926, %div3A_905 : i32
        %dma_wait3A_928 = arith.constant 1 : i32
        %dma_wait3A_929 = arith.constant 0 : i32
        %dma_wait3A_930 = arith.constant 1 : i32
        %dma_wait3A_931 = arith.constant 0 : i32
        %dma_wait3A_932 = arith.constant 0 : i32
        %dma_wait3A_933 = tpu.memref_slice %arg8[%dma_wait3A_928, %dma_wait3A_929, %dma_wait3A_931, %dma_wait3A_932] : memref<2x2x64x137xf32, #tpu.memory_space<vmem>> -> memref<1x1x32x128xf32, #tpu.memory_space<vmem>>
        %dma_wait3A_934 = tpu.memref_squeeze %dma_wait3A_933 : memref<1x1x32x128xf32, #tpu.memory_space<vmem>> -> memref<32x128xf32, #tpu.memory_space<vmem>>
        %dma_wait3A_935 = arith.constant 0 : i32
        %dma_wait3A_936 = tpu.memref_slice %arg4[%select_n3A_927, %dma_wait3A_935] : memref<204800x128xf32, #tpu.memory_space<hbm>> -> memref<32x128xf32, #tpu.memory_space<hbm>>
        %dma_wait3A_937 = tpu.memref_slice %arg10[%dma_wait3A_930] : memref<2x!tpu.dma_semaphore, #tpu.memory_space<semaphore_mem>> -> memref<1x!tpu.dma_semaphore, #tpu.memory_space<semaphore_mem>>
        %dma_wait3A_938 = tpu.memref_squeeze %dma_wait3A_937 : memref<1x!tpu.dma_semaphore, #tpu.memory_space<semaphore_mem>> -> memref<!tpu.dma_semaphore, #tpu.memory_space<semaphore_mem>>
        %dma_wait3A_939 = arith.constant 0 : i32
        %dma_wait3A_940 = tpu.memref_slice %arg4[%select_n3A_927, %dma_wait3A_939] : memref<204800x128xf32, #tpu.memory_space<hbm>> -> memref<32x128xf32, #tpu.memory_space<hbm>>
        %dma_wait3A_941 = arith.constant 0 : i32
        %dma_wait3A_942 = arith.constant 0 : i32
        %dma_wait3A_943 = tpu.memref_slice %arg8[%dma_wait3A_928, %dma_wait3A_929, %dma_wait3A_941, %dma_wait3A_942] : memref<2x2x64x137xf32, #tpu.memory_space<vmem>> -> memref<1x1x32x128xf32, #tpu.memory_space<vmem>>
        %dma_wait3A_944 = tpu.memref_squeeze %dma_wait3A_943 : memref<1x1x32x128xf32, #tpu.memory_space<vmem>> -> memref<32x128xf32, #tpu.memory_space<vmem>>
        tpu.wait_dma2 semaphore(%dma_wait3A_938 : memref<!tpu.dma_semaphore, #tpu.memory_space<semaphore_mem>>) src(%dma_wait3A_944 : memref<32x128xf32, #tpu.memory_space<vmem>>) dst(%dma_wait3A_940 : memref<32x128xf32, #tpu.memory_space<hbm>>)
        %mul3A_945 = arith.constant 16384 : i32
        %mul3A_946 = arith.muli %sub3A_892, %mul3A_945 : i32
        %mul3A_947 = arith.constant 32 : i32
        %mul3A_948 = arith.muli %mul3A_946, %mul3A_947 : i32
        %add3A_949 = arith.constant 131072 : i32
        %add3A_950 = arith.addi %mul3A_948, %add3A_949 : i32
        %mul3A_951 = arith.constant 32 : i32
        %mul3A_952 = arith.muli %add3A, %mul3A_951 : i32
        %mul3A_953 = arith.constant 128 : i32
        %mul3A_954 = arith.muli %mul3A_952, %mul3A_953 : i32
        %add3A_955 = arith.addi %add3A_950, %mul3A_954 : i32
        %jit3A_956 = arith.constant 128 : i32
        %div3A_957 = arith.divsi %add3A_955, %jit3A_956 : i32
        %sign3A_958 = arith.constant 0 : i32
        %sign3A_959 = arith.cmpi sgt, %add3A_955, %sign3A_958 : i32
        %sign3A_960 = arith.extui %sign3A_959 : i1 to i32
        %sign3A_961 = arith.constant 0 : i32
        %sign3A_962 = arith.cmpi slt, %add3A_955, %sign3A_961 : i32
        %sign3A_963 = arith.extui %sign3A_962 : i1 to i32
        %sign3A_964 = arith.subi %sign3A_960, %sign3A_963 : i32
        %sign3A_965 = arith.constant 0 : i32
        %sign3A_966 = arith.cmpi sgt, %jit3A_956, %sign3A_965 : i32
        %sign3A_967 = arith.extui %sign3A_966 : i1 to i32
        %sign3A_968 = arith.constant 0 : i32
        %sign3A_969 = arith.cmpi slt, %jit3A_956, %sign3A_968 : i32
        %sign3A_970 = arith.extui %sign3A_969 : i1 to i32
        %sign3A_971 = arith.subi %sign3A_967, %sign3A_970 : i32
        %ne3A_972 = arith.cmpi ne, %sign3A_964, %sign3A_971 : i32
        %rem3A_973 = arith.remsi %add3A_955, %jit3A_956 : i32
        %ne3A_974 = arith.constant 0 : i32
        %ne3A_975 = arith.cmpi ne, %rem3A_973, %ne3A_974 : i32
        %and3A_976 = arith.andi %ne3A_972, %ne3A_975 : i1
        %sub3A_977 = arith.constant 1 : i32
        %sub3A_978 = arith.subi %div3A_957, %sub3A_977 : i32
        %select_n3A_979 = arith.select %and3A_976, %sub3A_978, %div3A_957 : i32
        %dma_wait3A_980 = arith.constant 1 : i32
        %dma_wait3A_981 = arith.constant 0 : i32
        %dma_wait3A_982 = arith.constant 1 : i32
        %dma_wait3A_983 = arith.constant 32 : i32
        %dma_wait3A_984 = arith.constant 0 : i32
        %dma_wait3A_985 = tpu.memref_slice %arg8[%dma_wait3A_980, %dma_wait3A_981, %dma_wait3A_983, %dma_wait3A_984] : memref<2x2x64x137xf32, #tpu.memory_space<vmem>> -> memref<1x1x32x128xf32, #tpu.memory_space<vmem>>
        %dma_wait3A_986 = tpu.memref_squeeze %dma_wait3A_985 : memref<1x1x32x128xf32, #tpu.memory_space<vmem>> -> memref<32x128xf32, #tpu.memory_space<vmem>>
        %dma_wait3A_987 = arith.constant 0 : i32
        %dma_wait3A_988 = tpu.memref_slice %arg4[%select_n3A_979, %dma_wait3A_987] : memref<204800x128xf32, #tpu.memory_space<hbm>> -> memref<32x128xf32, #tpu.memory_space<hbm>>
        %dma_wait3A_989 = tpu.memref_slice %arg10[%dma_wait3A_982] : memref<2x!tpu.dma_semaphore, #tpu.memory_space<semaphore_mem>> -> memref<1x!tpu.dma_semaphore, #tpu.memory_space<semaphore_mem>>
        %dma_wait3A_990 = tpu.memref_squeeze %dma_wait3A_989 : memref<1x!tpu.dma_semaphore, #tpu.memory_space<semaphore_mem>> -> memref<!tpu.dma_semaphore, #tpu.memory_space<semaphore_mem>>
        %dma_wait3A_991 = arith.constant 0 : i32
        %dma_wait3A_992 = tpu.memref_slice %arg4[%select_n3A_979, %dma_wait3A_991] : memref<204800x128xf32, #tpu.memory_space<hbm>> -> memref<32x128xf32, #tpu.memory_space<hbm>>
        %dma_wait3A_993 = arith.constant 32 : i32
        %dma_wait3A_994 = arith.constant 0 : i32
        %dma_wait3A_995 = tpu.memref_slice %arg8[%dma_wait3A_980, %dma_wait3A_981, %dma_wait3A_993, %dma_wait3A_994] : memref<2x2x64x137xf32, #tpu.memory_space<vmem>> -> memref<1x1x32x128xf32, #tpu.memory_space<vmem>>
        %dma_wait3A_996 = tpu.memref_squeeze %dma_wait3A_995 : memref<1x1x32x128xf32, #tpu.memory_space<vmem>> -> memref<32x128xf32, #tpu.memory_space<vmem>>
        tpu.wait_dma2 semaphore(%dma_wait3A_990 : memref<!tpu.dma_semaphore, #tpu.memory_space<semaphore_mem>>) src(%dma_wait3A_996 : memref<32x128xf32, #tpu.memory_space<vmem>>) dst(%dma_wait3A_992 : memref<32x128xf32, #tpu.memory_space<hbm>>)
        %mul3A_997 = arith.constant 16384 : i32
        %mul3A_998 = arith.muli %sub3A_892, %mul3A_997 : i32
        %mul3A_999 = arith.constant 32 : i32
        %mul3A_1000 = arith.muli %mul3A_998, %mul3A_999 : i32
        %add3A_1001 = arith.constant 262144 : i32
        %add3A_1002 = arith.addi %mul3A_1000, %add3A_1001 : i32
        %mul3A_1003 = arith.constant 32 : i32
        %mul3A_1004 = arith.muli %add3A, %mul3A_1003 : i32
        %mul3A_1005 = arith.constant 128 : i32
        %mul3A_1006 = arith.muli %mul3A_1004, %mul3A_1005 : i32
        %add3A_1007 = arith.addi %add3A_1002, %mul3A_1006 : i32
        %jit3A_1008 = arith.constant 128 : i32
        %div3A_1009 = arith.divsi %add3A_1007, %jit3A_1008 : i32
        %sign3A_1010 = arith.constant 0 : i32
        %sign3A_1011 = arith.cmpi sgt, %add3A_1007, %sign3A_1010 : i32
        %sign3A_1012 = arith.extui %sign3A_1011 : i1 to i32
        %sign3A_1013 = arith.constant 0 : i32
        %sign3A_1014 = arith.cmpi slt, %add3A_1007, %sign3A_1013 : i32
        %sign3A_1015 = arith.extui %sign3A_1014 : i1 to i32
        %sign3A_1016 = arith.subi %sign3A_1012, %sign3A_1015 : i32
        %sign3A_1017 = arith.constant 0 : i32
        %sign3A_1018 = arith.cmpi sgt, %jit3A_1008, %sign3A_1017 : i32
        %sign3A_1019 = arith.extui %sign3A_1018 : i1 to i32
        %sign3A_1020 = arith.constant 0 : i32
        %sign3A_1021 = arith.cmpi slt, %jit3A_1008, %sign3A_1020 : i32
        %sign3A_1022 = arith.extui %sign3A_1021 : i1 to i32
        %sign3A_1023 = arith.subi %sign3A_1019, %sign3A_1022 : i32
        %ne3A_1024 = arith.cmpi ne, %sign3A_1016, %sign3A_1023 : i32
        %rem3A_1025 = arith.remsi %add3A_1007, %jit3A_1008 : i32
        %ne3A_1026 = arith.constant 0 : i32
        %ne3A_1027 = arith.cmpi ne, %rem3A_1025, %ne3A_1026 : i32
        %and3A_1028 = arith.andi %ne3A_1024, %ne3A_1027 : i1
        %sub3A_1029 = arith.constant 1 : i32
        %sub3A_1030 = arith.subi %div3A_1009, %sub3A_1029 : i32
        %select_n3A_1031 = arith.select %and3A_1028, %sub3A_1030, %div3A_1009 : i32
        %dma_wait3A_1032 = arith.constant 1 : i32
        %dma_wait3A_1033 = arith.constant 1 : i32
        %dma_wait3A_1034 = arith.constant 1 : i32
        %dma_wait3A_1035 = arith.constant 0 : i32
        %dma_wait3A_1036 = arith.constant 0 : i32
        %dma_wait3A_1037 = tpu.memref_slice %arg8[%dma_wait3A_1032, %dma_wait3A_1033, %dma_wait3A_1035, %dma_wait3A_1036] : memref<2x2x64x137xf32, #tpu.memory_space<vmem>> -> memref<1x1x32x128xf32, #tpu.memory_space<vmem>>
        %dma_wait3A_1038 = tpu.memref_squeeze %dma_wait3A_1037 : memref<1x1x32x128xf32, #tpu.memory_space<vmem>> -> memref<32x128xf32, #tpu.memory_space<vmem>>
        %dma_wait3A_1039 = arith.constant 0 : i32
        %dma_wait3A_1040 = tpu.memref_slice %arg4[%select_n3A_1031, %dma_wait3A_1039] : memref<204800x128xf32, #tpu.memory_space<hbm>> -> memref<32x128xf32, #tpu.memory_space<hbm>>
        %dma_wait3A_1041 = tpu.memref_slice %arg10[%dma_wait3A_1034] : memref<2x!tpu.dma_semaphore, #tpu.memory_space<semaphore_mem>> -> memref<1x!tpu.dma_semaphore, #tpu.memory_space<semaphore_mem>>
        %dma_wait3A_1042 = tpu.memref_squeeze %dma_wait3A_1041 : memref<1x!tpu.dma_semaphore, #tpu.memory_space<semaphore_mem>> -> memref<!tpu.dma_semaphore, #tpu.memory_space<semaphore_mem>>
        %dma_wait3A_1043 = arith.constant 0 : i32
        %dma_wait3A_1044 = tpu.memref_slice %arg4[%select_n3A_1031, %dma_wait3A_1043] : memref<204800x128xf32, #tpu.memory_space<hbm>> -> memref<32x128xf32, #tpu.memory_space<hbm>>
        %dma_wait3A_1045 = arith.constant 0 : i32
        %dma_wait3A_1046 = arith.constant 0 : i32
        %dma_wait3A_1047 = tpu.memref_slice %arg8[%dma_wait3A_1032, %dma_wait3A_1033, %dma_wait3A_1045, %dma_wait3A_1046] : memref<2x2x64x137xf32, #tpu.memory_space<vmem>> -> memref<1x1x32x128xf32, #tpu.memory_space<vmem>>
        %dma_wait3A_1048 = tpu.memref_squeeze %dma_wait3A_1047 : memref<1x1x32x128xf32, #tpu.memory_space<vmem>> -> memref<32x128xf32, #tpu.memory_space<vmem>>
        tpu.wait_dma2 semaphore(%dma_wait3A_1042 : memref<!tpu.dma_semaphore, #tpu.memory_space<semaphore_mem>>) src(%dma_wait3A_1048 : memref<32x128xf32, #tpu.memory_space<vmem>>) dst(%dma_wait3A_1044 : memref<32x128xf32, #tpu.memory_space<hbm>>)
        %mul3A_1049 = arith.constant 16384 : i32
        %mul3A_1050 = arith.muli %sub3A_892, %mul3A_1049 : i32
        %mul3A_1051 = arith.constant 32 : i32
        %mul3A_1052 = arith.muli %mul3A_1050, %mul3A_1051 : i32
        %add3A_1053 = arith.constant 393216 : i32
        %add3A_1054 = arith.addi %mul3A_1052, %add3A_1053 : i32
        %mul3A_1055 = arith.constant 32 : i32
        %mul3A_1056 = arith.muli %add3A, %mul3A_1055 : i32
        %mul3A_1057 = arith.constant 128 : i32
        %mul3A_1058 = arith.muli %mul3A_1056, %mul3A_1057 : i32
        %add3A_1059 = arith.addi %add3A_1054, %mul3A_1058 : i32
        %jit3A_1060 = arith.constant 128 : i32
        %div3A_1061 = arith.divsi %add3A_1059, %jit3A_1060 : i32
        %sign3A_1062 = arith.constant 0 : i32
        %sign3A_1063 = arith.cmpi sgt, %add3A_1059, %sign3A_1062 : i32
        %sign3A_1064 = arith.extui %sign3A_1063 : i1 to i32
        %sign3A_1065 = arith.constant 0 : i32
        %sign3A_1066 = arith.cmpi slt, %add3A_1059, %sign3A_1065 : i32
        %sign3A_1067 = arith.extui %sign3A_1066 : i1 to i32
        %sign3A_1068 = arith.subi %sign3A_1064, %sign3A_1067 : i32
        %sign3A_1069 = arith.constant 0 : i32
        %sign3A_1070 = arith.cmpi sgt, %jit3A_1060, %sign3A_1069 : i32
        %sign3A_1071 = arith.extui %sign3A_1070 : i1 to i32
        %sign3A_1072 = arith.constant 0 : i32
        %sign3A_1073 = arith.cmpi slt, %jit3A_1060, %sign3A_1072 : i32
        %sign3A_1074 = arith.extui %sign3A_1073 : i1 to i32
        %sign3A_1075 = arith.subi %sign3A_1071, %sign3A_1074 : i32
        %ne3A_1076 = arith.cmpi ne, %sign3A_1068, %sign3A_1075 : i32
        %rem3A_1077 = arith.remsi %add3A_1059, %jit3A_1060 : i32
        %ne3A_1078 = arith.constant 0 : i32
        %ne3A_1079 = arith.cmpi ne, %rem3A_1077, %ne3A_1078 : i32
        %and3A_1080 = arith.andi %ne3A_1076, %ne3A_1079 : i1
        %sub3A_1081 = arith.constant 1 : i32
        %sub3A_1082 = arith.subi %div3A_1061, %sub3A_1081 : i32
        %select_n3A_1083 = arith.select %and3A_1080, %sub3A_1082, %div3A_1061 : i32
        %dma_wait3A_1084 = arith.constant 1 : i32
        %dma_wait3A_1085 = arith.constant 1 : i32
        %dma_wait3A_1086 = arith.constant 1 : i32
        %dma_wait3A_1087 = arith.constant 32 : i32
        %dma_wait3A_1088 = arith.constant 0 : i32
        %dma_wait3A_1089 = tpu.memref_slice %arg8[%dma_wait3A_1084, %dma_wait3A_1085, %dma_wait3A_1087, %dma_wait3A_1088] : memref<2x2x64x137xf32, #tpu.memory_space<vmem>> -> memref<1x1x32x128xf32, #tpu.memory_space<vmem>>
        %dma_wait3A_1090 = tpu.memref_squeeze %dma_wait3A_1089 : memref<1x1x32x128xf32, #tpu.memory_space<vmem>> -> memref<32x128xf32, #tpu.memory_space<vmem>>
        %dma_wait3A_1091 = arith.constant 0 : i32
        %dma_wait3A_1092 = tpu.memref_slice %arg4[%select_n3A_1083, %dma_wait3A_1091] : memref<204800x128xf32, #tpu.memory_space<hbm>> -> memref<32x128xf32, #tpu.memory_space<hbm>>
        %dma_wait3A_1093 = tpu.memref_slice %arg10[%dma_wait3A_1086] : memref<2x!tpu.dma_semaphore, #tpu.memory_space<semaphore_mem>> -> memref<1x!tpu.dma_semaphore, #tpu.memory_space<semaphore_mem>>
        %dma_wait3A_1094 = tpu.memref_squeeze %dma_wait3A_1093 : memref<1x!tpu.dma_semaphore, #tpu.memory_space<semaphore_mem>> -> memref<!tpu.dma_semaphore, #tpu.memory_space<semaphore_mem>>
        %dma_wait3A_1095 = arith.constant 0 : i32
        %dma_wait3A_1096 = tpu.memref_slice %arg4[%select_n3A_1083, %dma_wait3A_1095] : memref<204800x128xf32, #tpu.memory_space<hbm>> -> memref<32x128xf32, #tpu.memory_space<hbm>>
        %dma_wait3A_1097 = arith.constant 32 : i32
        %dma_wait3A_1098 = arith.constant 0 : i32
        %dma_wait3A_1099 = tpu.memref_slice %arg8[%dma_wait3A_1084, %dma_wait3A_1085, %dma_wait3A_1097, %dma_wait3A_1098] : memref<2x2x64x137xf32, #tpu.memory_space<vmem>> -> memref<1x1x32x128xf32, #tpu.memory_space<vmem>>
        %dma_wait3A_1100 = tpu.memref_squeeze %dma_wait3A_1099 : memref<1x1x32x128xf32, #tpu.memory_space<vmem>> -> memref<32x128xf32, #tpu.memory_space<vmem>>
        tpu.wait_dma2 semaphore(%dma_wait3A_1094 : memref<!tpu.dma_semaphore, #tpu.memory_space<semaphore_mem>>) src(%dma_wait3A_1100 : memref<32x128xf32, #tpu.memory_space<vmem>>) dst(%dma_wait3A_1096 : memref<32x128xf32, #tpu.memory_space<hbm>>)
      } else {
      }
      %parallel_loop3A_679 = arith.constant 0 : i32
      %parallel_loop3A_680 = arith.constant 512 : i32
      %parallel_loop3A_681 = arith.constant 1 : i32
      scf.for %parallel_loop3A_891 = %parallel_loop3A_679 to %parallel_loop3A_680 step %parallel_loop3A_681  : i32 {
        %parallel_loop3A_892 = arith.constant 7 : i32
        %parallel_loop3A_893 = arith.shrui %parallel_loop3A_891, %parallel_loop3A_892 : i32
        %parallel_loop3A_894 = arith.constant 8 : i32
        %parallel_loop3A_895 = arith.muli %parallel_loop3A_893, %parallel_loop3A_894 : i32
        %parallel_loop3A_896 = vector.broadcast %parallel_loop3A_895 : i32 to vector<16xi32>
        %parallel_loop3A_897 = arith.addi %add3A_19, %parallel_loop3A_896 : vector<16xi32>
        %parallel_loop3A_898 = arith.constant 0 : i32
        %parallel_loop3A_899 = vector.broadcast %parallel_loop3A_898 : i32 to vector<16xi32>
        %parallel_loop3A_900 = arith.muli %iota3A, %parallel_loop3A_899 : vector<16xi32>
        %parallel_loop3A_901 = arith.constant 127 : i32
        %parallel_loop3A_902 = arith.andi %parallel_loop3A_891, %parallel_loop3A_901 : i32
        %parallel_loop3A_903 = vector.broadcast %parallel_loop3A_902 : i32 to vector<16xi32>
        %parallel_loop3A_904 = arith.addi %parallel_loop3A_900, %parallel_loop3A_903 : vector<16xi32>
        %parallel_loop3A_905 = arith.constant 1 : i32
        %parallel_loop3A_906 = arith.index_cast %parallel_loop3A_905 : i32 to index
        %parallel_loop3A_907 = arith.index_cast %parallel_loop3A_891 : i32 to index
        %parallel_loop3A_908 = arith.constant 0 : index
        %parallel_loop3A_909 = tpu.vector_load %arg7[%parallel_loop3A_906, %parallel_loop3A_907, %parallel_loop3A_908] {strides = array<i32>} : memref<2x512x32xf32, #tpu.memory_space<vmem>>, vector<16xf32>,
        %parallel_loop3A_910 = arith.constant 1 : i32
        %parallel_loop3A_911 = arith.constant 0 : i32
        %parallel_loop3A_912 = arith.constant 0 : i32
        %parallel_loop3A_913 = arith.constant 0 : i32
        %parallel_loop3A_914 = tpu.memref_slice %arg8[%parallel_loop3A_910, %parallel_loop3A_911, %parallel_loop3A_912, %parallel_loop3A_913] : memref<2x2x64x137xf32, #tpu.memory_space<vmem>> -> memref<1x1x64x137xf32, #tpu.memory_space<vmem>>
        %parallel_loop3A_915 = tpu.memref_squeeze %parallel_loop3A_914 : memref<1x1x64x137xf32, #tpu.memory_space<vmem>> -> memref<64x137xf32, #tpu.memory_space<vmem>>
        tpu.vector_store_idx %parallel_loop3A_915[%parallel_loop3A_897, %parallel_loop3A_904], %parallel_loop3A_909 : memref<64x137xf32, #tpu.memory_space<vmem>>[vector<16xi32>, vector<16xi32>], vector<16xf32>,
        %parallel_loop3A_916 = arith.constant 1 : i32
        %parallel_loop3A_917 = arith.index_cast %parallel_loop3A_916 : i32 to index
        %parallel_loop3A_918 = arith.index_cast %parallel_loop3A_891 : i32 to index
        %parallel_loop3A_919 = arith.constant 16 : index
        %parallel_loop3A_920 = tpu.vector_load %arg7[%parallel_loop3A_917, %parallel_loop3A_918, %parallel_loop3A_919] {strides = array<i32>} : memref<2x512x32xf32, #tpu.memory_space<vmem>>, vector<16xf32>,
        %parallel_loop3A_921 = arith.constant 1 : i32
        %parallel_loop3A_922 = arith.constant 1 : i32
        %parallel_loop3A_923 = arith.constant 0 : i32
        %parallel_loop3A_924 = arith.constant 0 : i32
        %parallel_loop3A_925 = tpu.memref_slice %arg8[%parallel_loop3A_921, %parallel_loop3A_922, %parallel_loop3A_923, %parallel_loop3A_924] : memref<2x2x64x137xf32, #tpu.memory_space<vmem>> -> memref<1x1x64x137xf32, #tpu.memory_space<vmem>>
        %parallel_loop3A_926 = tpu.memref_squeeze %parallel_loop3A_925 : memref<1x1x64x137xf32, #tpu.memory_space<vmem>> -> memref<64x137xf32, #tpu.memory_space<vmem>>
        tpu.vector_store_idx %parallel_loop3A_926[%parallel_loop3A_897, %parallel_loop3A_904], %parallel_loop3A_920 : memref<64x137xf32, #tpu.memory_space<vmem>>[vector<16xi32>, vector<16xi32>], vector<16xf32>,
      } {sc.loop_unroll_factor = 8 : i64, sc.parallel_access}
      %mul3A_682 = arith.constant 16384 : i32
      %mul3A_683 = arith.muli %add3A_651, %mul3A_682 : i32
      %mul3A_684 = arith.constant 32 : i32
      %mul3A_685 = arith.muli %mul3A_683, %mul3A_684 : i32
      %add3A_686 = arith.constant 0 : i32
      %add3A_687 = arith.addi %mul3A_685, %add3A_686 : i32
      %mul3A_688 = arith.constant 32 : i32
      %mul3A_689 = arith.muli %add3A, %mul3A_688 : i32
      %mul3A_690 = arith.constant 128 : i32
      %mul3A_691 = arith.muli %mul3A_689, %mul3A_690 : i32
      %add3A_692 = arith.addi %add3A_687, %mul3A_691 : i32
      %jit3A_693 = arith.constant 128 : i32
      %div3A_694 = arith.divsi %add3A_692, %jit3A_693 : i32
      %sign3A_695 = arith.constant 0 : i32
      %sign3A_696 = arith.cmpi sgt, %add3A_692, %sign3A_695 : i32
      %sign3A_697 = arith.extui %sign3A_696 : i1 to i32
      %sign3A_698 = arith.constant 0 : i32
      %sign3A_699 = arith.cmpi slt, %add3A_692, %sign3A_698 : i32
      %sign3A_700 = arith.extui %sign3A_699 : i1 to i32
      %sign3A_701 = arith.subi %sign3A_697, %sign3A_700 : i32
      %sign3A_702 = arith.constant 0 : i32
      %sign3A_703 = arith.cmpi sgt, %jit3A_693, %sign3A_702 : i32
      %sign3A_704 = arith.extui %sign3A_703 : i1 to i32
      %sign3A_705 = arith.constant 0 : i32
      %sign3A_706 = arith.cmpi slt, %jit3A_693, %sign3A_705 : i32
      %sign3A_707 = arith.extui %sign3A_706 : i1 to i32
      %sign3A_708 = arith.subi %sign3A_704, %sign3A_707 : i32
      %ne3A_709 = arith.cmpi ne, %sign3A_701, %sign3A_708 : i32
      %rem3A_710 = arith.remsi %add3A_692, %jit3A_693 : i32
      %ne3A_711 = arith.constant 0 : i32
      %ne3A_712 = arith.cmpi ne, %rem3A_710, %ne3A_711 : i32
      %and3A_713 = arith.andi %ne3A_709, %ne3A_712 : i1
      %sub3A_714 = arith.constant 1 : i32
      %sub3A_715 = arith.subi %div3A_694, %sub3A_714 : i32
      %select_n3A_716 = arith.select %and3A_713, %sub3A_715, %div3A_694 : i32
      %dma_start3A_717 = arith.constant 1 : i32
      %dma_start3A_718 = arith.constant 0 : i32
      %dma_start3A_719 = arith.constant 1 : i32
      %dma_start3A_720 = arith.constant 0 : i32
      %dma_start3A_721 = arith.constant 0 : i32
      %dma_start3A_722 = tpu.memref_slice %arg8[%dma_start3A_717, %dma_start3A_718, %dma_start3A_720, %dma_start3A_721] : memref<2x2x64x137xf32, #tpu.memory_space<vmem>> -> memref<1x1x32x128xf32, #tpu.memory_space<vmem>>
      %dma_start3A_723 = tpu.memref_squeeze %dma_start3A_722 : memref<1x1x32x128xf32, #tpu.memory_space<vmem>> -> memref<32x128xf32, #tpu.memory_space<vmem>>
      %dma_start3A_724 = arith.constant 0 : i32
      %dma_start3A_725 = tpu.memref_slice %arg4[%select_n3A_716, %dma_start3A_724] : memref<204800x128xf32, #tpu.memory_space<hbm>> -> memref<32x128xf32, #tpu.memory_space<hbm>>
      %dma_start3A_726 = tpu.memref_slice %arg10[%dma_start3A_719] : memref<2x!tpu.dma_semaphore, #tpu.memory_space<semaphore_mem>> -> memref<1x!tpu.dma_semaphore, #tpu.memory_space<semaphore_mem>>
      %dma_start3A_727 = tpu.memref_squeeze %dma_start3A_726 : memref<1x!tpu.dma_semaphore, #tpu.memory_space<semaphore_mem>> -> memref<!tpu.dma_semaphore, #tpu.memory_space<semaphore_mem>>
      %dma_start3A_728 = arith.constant 0 : i32
      %dma_start3A_729 = tpu.memref_slice %arg4[%select_n3A_716, %dma_start3A_728] : memref<204800x128xf32, #tpu.memory_space<hbm>> -> memref<32x128xf32, #tpu.memory_space<hbm>>
      %dma_start3A_730 = arith.constant 0 : i32
      %dma_start3A_731 = arith.constant 0 : i32
      %dma_start3A_732 = tpu.memref_slice %arg8[%dma_start3A_717, %dma_start3A_718, %dma_start3A_730, %dma_start3A_731] : memref<2x2x64x137xf32, #tpu.memory_space<vmem>> -> memref<1x1x32x128xf32, #tpu.memory_space<vmem>>
      %dma_start3A_733 = tpu.memref_squeeze %dma_start3A_732 : memref<1x1x32x128xf32, #tpu.memory_space<vmem>> -> memref<32x128xf32, #tpu.memory_space<vmem>>
      tpu.enqueue_dma source(%dma_start3A_733 : memref<32x128xf32, #tpu.memory_space<vmem>>) target(%dma_start3A_729 : memref<32x128xf32, #tpu.memory_space<hbm>>) target_semaphore(%dma_start3A_727 : memref<!tpu.dma_semaphore, #tpu.memory_space<semaphore_mem>>)
      %mul3A_734 = arith.constant 16384 : i32
      %mul3A_735 = arith.muli %add3A_651, %mul3A_734 : i32
      %mul3A_736 = arith.constant 32 : i32
      %mul3A_737 = arith.muli %mul3A_735, %mul3A_736 : i32
      %add3A_738 = arith.constant 131072 : i32
      %add3A_739 = arith.addi %mul3A_737, %add3A_738 : i32
      %mul3A_740 = arith.constant 32 : i32
      %mul3A_741 = arith.muli %add3A, %mul3A_740 : i32
      %mul3A_742 = arith.constant 128 : i32
      %mul3A_743 = arith.muli %mul3A_741, %mul3A_742 : i32
      %add3A_744 = arith.addi %add3A_739, %mul3A_743 : i32
      %jit3A_745 = arith.constant 128 : i32
      %div3A_746 = arith.divsi %add3A_744, %jit3A_745 : i32
      %sign3A_747 = arith.constant 0 : i32
      %sign3A_748 = arith.cmpi sgt, %add3A_744, %sign3A_747 : i32
      %sign3A_749 = arith.extui %sign3A_748 : i1 to i32
      %sign3A_750 = arith.constant 0 : i32
      %sign3A_751 = arith.cmpi slt, %add3A_744, %sign3A_750 : i32
      %sign3A_752 = arith.extui %sign3A_751 : i1 to i32
      %sign3A_753 = arith.subi %sign3A_749, %sign3A_752 : i32
      %sign3A_754 = arith.constant 0 : i32
      %sign3A_755 = arith.cmpi sgt, %jit3A_745, %sign3A_754 : i32
      %sign3A_756 = arith.extui %sign3A_755 : i1 to i32
      %sign3A_757 = arith.constant 0 : i32
      %sign3A_758 = arith.cmpi slt, %jit3A_745, %sign3A_757 : i32
      %sign3A_759 = arith.extui %sign3A_758 : i1 to i32
      %sign3A_760 = arith.subi %sign3A_756, %sign3A_759 : i32
      %ne3A_761 = arith.cmpi ne, %sign3A_753, %sign3A_760 : i32
      %rem3A_762 = arith.remsi %add3A_744, %jit3A_745 : i32
      %ne3A_763 = arith.constant 0 : i32
      %ne3A_764 = arith.cmpi ne, %rem3A_762, %ne3A_763 : i32
      %and3A_765 = arith.andi %ne3A_761, %ne3A_764 : i1
      %sub3A_766 = arith.constant 1 : i32
      %sub3A_767 = arith.subi %div3A_746, %sub3A_766 : i32
      %select_n3A_768 = arith.select %and3A_765, %sub3A_767, %div3A_746 : i32
      %dma_start3A_769 = arith.constant 1 : i32
      %dma_start3A_770 = arith.constant 0 : i32
      %dma_start3A_771 = arith.constant 1 : i32
      %dma_start3A_772 = arith.constant 32 : i32
      %dma_start3A_773 = arith.constant 0 : i32
      %dma_start3A_774 = tpu.memref_slice %arg8[%dma_start3A_769, %dma_start3A_770, %dma_start3A_772, %dma_start3A_773] : memref<2x2x64x137xf32, #tpu.memory_space<vmem>> -> memref<1x1x32x128xf32, #tpu.memory_space<vmem>>
      %dma_start3A_775 = tpu.memref_squeeze %dma_start3A_774 : memref<1x1x32x128xf32, #tpu.memory_space<vmem>> -> memref<32x128xf32, #tpu.memory_space<vmem>>
      %dma_start3A_776 = arith.constant 0 : i32
      %dma_start3A_777 = tpu.memref_slice %arg4[%select_n3A_768, %dma_start3A_776] : memref<204800x128xf32, #tpu.memory_space<hbm>> -> memref<32x128xf32, #tpu.memory_space<hbm>>
      %dma_start3A_778 = tpu.memref_slice %arg10[%dma_start3A_771] : memref<2x!tpu.dma_semaphore, #tpu.memory_space<semaphore_mem>> -> memref<1x!tpu.dma_semaphore, #tpu.memory_space<semaphore_mem>>
      %dma_start3A_779 = tpu.memref_squeeze %dma_start3A_778 : memref<1x!tpu.dma_semaphore, #tpu.memory_space<semaphore_mem>> -> memref<!tpu.dma_semaphore, #tpu.memory_space<semaphore_mem>>
      %dma_start3A_780 = arith.constant 0 : i32
      %dma_start3A_781 = tpu.memref_slice %arg4[%select_n3A_768, %dma_start3A_780] : memref<204800x128xf32, #tpu.memory_space<hbm>> -> memref<32x128xf32, #tpu.memory_space<hbm>>
      %dma_start3A_782 = arith.constant 32 : i32
      %dma_start3A_783 = arith.constant 0 : i32
      %dma_start3A_784 = tpu.memref_slice %arg8[%dma_start3A_769, %dma_start3A_770, %dma_start3A_782, %dma_start3A_783] : memref<2x2x64x137xf32, #tpu.memory_space<vmem>> -> memref<1x1x32x128xf32, #tpu.memory_space<vmem>>
      %dma_start3A_785 = tpu.memref_squeeze %dma_start3A_784 : memref<1x1x32x128xf32, #tpu.memory_space<vmem>> -> memref<32x128xf32, #tpu.memory_space<vmem>>
      tpu.enqueue_dma source(%dma_start3A_785 : memref<32x128xf32, #tpu.memory_space<vmem>>) target(%dma_start3A_781 : memref<32x128xf32, #tpu.memory_space<hbm>>) target_semaphore(%dma_start3A_779 : memref<!tpu.dma_semaphore, #tpu.memory_space<semaphore_mem>>)
      %mul3A_786 = arith.constant 16384 : i32
      %mul3A_787 = arith.muli %add3A_651, %mul3A_786 : i32
      %mul3A_788 = arith.constant 32 : i32
      %mul3A_789 = arith.muli %mul3A_787, %mul3A_788 : i32
      %add3A_790 = arith.constant 262144 : i32
      %add3A_791 = arith.addi %mul3A_789, %add3A_790 : i32
      %mul3A_792 = arith.constant 32 : i32
      %mul3A_793 = arith.muli %add3A, %mul3A_792 : i32
      %mul3A_794 = arith.constant 128 : i32
      %mul3A_795 = arith.muli %mul3A_793, %mul3A_794 : i32
      %add3A_796 = arith.addi %add3A_791, %mul3A_795 : i32
      %jit3A_797 = arith.constant 128 : i32
      %div3A_798 = arith.divsi %add3A_796, %jit3A_797 : i32
      %sign3A_799 = arith.constant 0 : i32
      %sign3A_800 = arith.cmpi sgt, %add3A_796, %sign3A_799 : i32
      %sign3A_801 = arith.extui %sign3A_800 : i1 to i32
      %sign3A_802 = arith.constant 0 : i32
      %sign3A_803 = arith.cmpi slt, %add3A_796, %sign3A_802 : i32
      %sign3A_804 = arith.extui %sign3A_803 : i1 to i32
      %sign3A_805 = arith.subi %sign3A_801, %sign3A_804 : i32
      %sign3A_806 = arith.constant 0 : i32
      %sign3A_807 = arith.cmpi sgt, %jit3A_797, %sign3A_806 : i32
      %sign3A_808 = arith.extui %sign3A_807 : i1 to i32
      %sign3A_809 = arith.constant 0 : i32
      %sign3A_810 = arith.cmpi slt, %jit3A_797, %sign3A_809 : i32
      %sign3A_811 = arith.extui %sign3A_810 : i1 to i32
      %sign3A_812 = arith.subi %sign3A_808, %sign3A_811 : i32
      %ne3A_813 = arith.cmpi ne, %sign3A_805, %sign3A_812 : i32
      %rem3A_814 = arith.remsi %add3A_796, %jit3A_797 : i32
      %ne3A_815 = arith.constant 0 : i32
      %ne3A_816 = arith.cmpi ne, %rem3A_814, %ne3A_815 : i32
      %and3A_817 = arith.andi %ne3A_813, %ne3A_816 : i1
      %sub3A_818 = arith.constant 1 : i32
      %sub3A_819 = arith.subi %div3A_798, %sub3A_818 : i32
      %select_n3A_820 = arith.select %and3A_817, %sub3A_819, %div3A_798 : i32
      %dma_start3A_821 = arith.constant 1 : i32
      %dma_start3A_822 = arith.constant 1 : i32
      %dma_start3A_823 = arith.constant 1 : i32
      %dma_start3A_824 = arith.constant 0 : i32
      %dma_start3A_825 = arith.constant 0 : i32
      %dma_start3A_826 = tpu.memref_slice %arg8[%dma_start3A_821, %dma_start3A_822, %dma_start3A_824, %dma_start3A_825] : memref<2x2x64x137xf32, #tpu.memory_space<vmem>> -> memref<1x1x32x128xf32, #tpu.memory_space<vmem>>
      %dma_start3A_827 = tpu.memref_squeeze %dma_start3A_826 : memref<1x1x32x128xf32, #tpu.memory_space<vmem>> -> memref<32x128xf32, #tpu.memory_space<vmem>>
      %dma_start3A_828 = arith.constant 0 : i32
      %dma_start3A_829 = tpu.memref_slice %arg4[%select_n3A_820, %dma_start3A_828] : memref<204800x128xf32, #tpu.memory_space<hbm>> -> memref<32x128xf32, #tpu.memory_space<hbm>>
      %dma_start3A_830 = tpu.memref_slice %arg10[%dma_start3A_823] : memref<2x!tpu.dma_semaphore, #tpu.memory_space<semaphore_mem>> -> memref<1x!tpu.dma_semaphore, #tpu.memory_space<semaphore_mem>>
      %dma_start3A_831 = tpu.memref_squeeze %dma_start3A_830 : memref<1x!tpu.dma_semaphore, #tpu.memory_space<semaphore_mem>> -> memref<!tpu.dma_semaphore, #tpu.memory_space<semaphore_mem>>
      %dma_start3A_832 = arith.constant 0 : i32
      %dma_start3A_833 = tpu.memref_slice %arg4[%select_n3A_820, %dma_start3A_832] : memref<204800x128xf32, #tpu.memory_space<hbm>> -> memref<32x128xf32, #tpu.memory_space<hbm>>
      %dma_start3A_834 = arith.constant 0 : i32
      %dma_start3A_835 = arith.constant 0 : i32
      %dma_start3A_836 = tpu.memref_slice %arg8[%dma_start3A_821, %dma_start3A_822, %dma_start3A_834, %dma_start3A_835] : memref<2x2x64x137xf32, #tpu.memory_space<vmem>> -> memref<1x1x32x128xf32, #tpu.memory_space<vmem>>
      %dma_start3A_837 = tpu.memref_squeeze %dma_start3A_836 : memref<1x1x32x128xf32, #tpu.memory_space<vmem>> -> memref<32x128xf32, #tpu.memory_space<vmem>>
      tpu.enqueue_dma source(%dma_start3A_837 : memref<32x128xf32, #tpu.memory_space<vmem>>) target(%dma_start3A_833 : memref<32x128xf32, #tpu.memory_space<hbm>>) target_semaphore(%dma_start3A_831 : memref<!tpu.dma_semaphore, #tpu.memory_space<semaphore_mem>>)
      %mul3A_838 = arith.constant 16384 : i32
      %mul3A_839 = arith.muli %add3A_651, %mul3A_838 : i32
      %mul3A_840 = arith.constant 32 : i32
      %mul3A_841 = arith.muli %mul3A_839, %mul3A_840 : i32
      %add3A_842 = arith.constant 393216 : i32
      %add3A_843 = arith.addi %mul3A_841, %add3A_842 : i32
      %mul3A_844 = arith.constant 32 : i32
      %mul3A_845 = arith.muli %add3A, %mul3A_844 : i32
      %mul3A_846 = arith.constant 128 : i32
      %mul3A_847 = arith.muli %mul3A_845, %mul3A_846 : i32
      %add3A_848 = arith.addi %add3A_843, %mul3A_847 : i32
      %jit3A_849 = arith.constant 128 : i32
      %div3A_850 = arith.divsi %add3A_848, %jit3A_849 : i32
      %sign3A_851 = arith.constant 0 : i32
      %sign3A_852 = arith.cmpi sgt, %add3A_848, %sign3A_851 : i32
      %sign3A_853 = arith.extui %sign3A_852 : i1 to i32
      %sign3A_854 = arith.constant 0 : i32
      %sign3A_855 = arith.cmpi slt, %add3A_848, %sign3A_854 : i32
      %sign3A_856 = arith.extui %sign3A_855 : i1 to i32
      %sign3A_857 = arith.subi %sign3A_853, %sign3A_856 : i32
      %sign3A_858 = arith.constant 0 : i32
      %sign3A_859 = arith.cmpi sgt, %jit3A_849, %sign3A_858 : i32
      %sign3A_860 = arith.extui %sign3A_859 : i1 to i32
      %sign3A_861 = arith.constant 0 : i32
      %sign3A_862 = arith.cmpi slt, %jit3A_849, %sign3A_861 : i32
      %sign3A_863 = arith.extui %sign3A_862 : i1 to i32
      %sign3A_864 = arith.subi %sign3A_860, %sign3A_863 : i32
      %ne3A_865 = arith.cmpi ne, %sign3A_857, %sign3A_864 : i32
      %rem3A_866 = arith.remsi %add3A_848, %jit3A_849 : i32
      %ne3A_867 = arith.constant 0 : i32
      %ne3A_868 = arith.cmpi ne, %rem3A_866, %ne3A_867 : i32
      %and3A_869 = arith.andi %ne3A_865, %ne3A_868 : i1
      %sub3A_870 = arith.constant 1 : i32
      %sub3A_871 = arith.subi %div3A_850, %sub3A_870 : i32
      %select_n3A_872 = arith.select %and3A_869, %sub3A_871, %div3A_850 : i32
      %dma_start3A_873 = arith.constant 1 : i32
      %dma_start3A_874 = arith.constant 1 : i32
      %dma_start3A_875 = arith.constant 1 : i32
      %dma_start3A_876 = arith.constant 32 : i32
      %dma_start3A_877 = arith.constant 0 : i32
      %dma_start3A_878 = tpu.memref_slice %arg8[%dma_start3A_873, %dma_start3A_874, %dma_start3A_876, %dma_start3A_877] : memref<2x2x64x137xf32, #tpu.memory_space<vmem>> -> memref<1x1x32x128xf32, #tpu.memory_space<vmem>>
      %dma_start3A_879 = tpu.memref_squeeze %dma_start3A_878 : memref<1x1x32x128xf32, #tpu.memory_space<vmem>> -> memref<32x128xf32, #tpu.memory_space<vmem>>
      %dma_start3A_880 = arith.constant 0 : i32
      %dma_start3A_881 = tpu.memref_slice %arg4[%select_n3A_872, %dma_start3A_880] : memref<204800x128xf32, #tpu.memory_space<hbm>> -> memref<32x128xf32, #tpu.memory_space<hbm>>
      %dma_start3A_882 = tpu.memref_slice %arg10[%dma_start3A_875] : memref<2x!tpu.dma_semaphore, #tpu.memory_space<semaphore_mem>> -> memref<1x!tpu.dma_semaphore, #tpu.memory_space<semaphore_mem>>
      %dma_start3A_883 = tpu.memref_squeeze %dma_start3A_882 : memref<1x!tpu.dma_semaphore, #tpu.memory_space<semaphore_mem>> -> memref<!tpu.dma_semaphore, #tpu.memory_space<semaphore_mem>>
      %dma_start3A_884 = arith.constant 0 : i32
      %dma_start3A_885 = tpu.memref_slice %arg4[%select_n3A_872, %dma_start3A_884] : memref<204800x128xf32, #tpu.memory_space<hbm>> -> memref<32x128xf32, #tpu.memory_space<hbm>>
      %dma_start3A_886 = arith.constant 32 : i32
      %dma_start3A_887 = arith.constant 0 : i32
      %dma_start3A_888 = tpu.memref_slice %arg8[%dma_start3A_873, %dma_start3A_874, %dma_start3A_886, %dma_start3A_887] : memref<2x2x64x137xf32, #tpu.memory_space<vmem>> -> memref<1x1x32x128xf32, #tpu.memory_space<vmem>>
      %dma_start3A_889 = tpu.memref_squeeze %dma_start3A_888 : memref<1x1x32x128xf32, #tpu.memory_space<vmem>> -> memref<32x128xf32, #tpu.memory_space<vmem>>
      tpu.enqueue_dma source(%dma_start3A_889 : memref<32x128xf32, #tpu.memory_space<vmem>>) target(%dma_start3A_885 : memref<32x128xf32, #tpu.memory_space<hbm>>) target_semaphore(%dma_start3A_883 : memref<!tpu.dma_semaphore, #tpu.memory_space<semaphore_mem>>)
      %scan3A_890 = arith.constant 0 : i32
      scf.yield %scan3A_890 : i32
    }
    %scan3A_40 = arith.constant 25 : i32
    %mul3A_41 = arith.constant 32 : i32
    %mul3A_42 = arith.muli %add3A, %mul3A_41 : i32
    %mul3A_43 = arith.constant 128 : i32
    %mul3A_44 = arith.muli %mul3A_42, %mul3A_43 : i32
    %add3A_45 = arith.constant 25165824 : i32
    %add3A_46 = arith.addi %add3A_45, %mul3A_44 : i32
    %jit3A = arith.constant 128 : i32
    %div3A = arith.divsi %add3A_46, %jit3A : i32
    %sign3A = arith.constant 0 : i32
    %sign3A_47 = arith.cmpi sgt, %add3A_46, %sign3A : i32
    %sign3A_48 = arith.extui %sign3A_47 : i1 to i32
    %sign3A_49 = arith.constant 0 : i32
    %sign3A_50 = arith.cmpi slt, %add3A_46, %sign3A_49 : i32
    %sign3A_51 = arith.extui %sign3A_50 : i1 to i32
    %sign3A_52 = arith.subi %sign3A_48, %sign3A_51 : i32
    %sign3A_53 = arith.constant 0 : i32
    %sign3A_54 = arith.cmpi sgt, %jit3A, %sign3A_53 : i32
    %sign3A_55 = arith.extui %sign3A_54 : i1 to i32
    %sign3A_56 = arith.constant 0 : i32
    %sign3A_57 = arith.cmpi slt, %jit3A, %sign3A_56 : i32
    %sign3A_58 = arith.extui %sign3A_57 : i1 to i32
    %sign3A_59 = arith.subi %sign3A_55, %sign3A_58 : i32
    %ne3A = arith.cmpi ne, %sign3A_52, %sign3A_59 : i32
    %rem3A = arith.remsi %add3A_46, %jit3A : i32
    %ne3A_60 = arith.constant 0 : i32
    %ne3A_61 = arith.cmpi ne, %rem3A, %ne3A_60 : i32
    %and3A_62 = arith.andi %ne3A, %ne3A_61 : i1
    %sub3A = arith.constant 1 : i32
    %sub3A_63 = arith.subi %div3A, %sub3A : i32
    %select_n3A = arith.select %and3A_62, %sub3A_63, %div3A : i32
    %dma_wait3A = arith.constant 0 : i32
    %dma_wait3A_64 = arith.constant 0 : i32
    %dma_wait3A_65 = arith.constant 0 : i32
    %dma_wait3A_66 = arith.constant 0 : i32
    %dma_wait3A_67 = arith.constant 0 : i32
    %dma_wait3A_68 = tpu.memref_slice %arg8[%dma_wait3A, %dma_wait3A_64, %dma_wait3A_66, %dma_wait3A_67] : memref<2x2x64x137xf32, #tpu.memory_space<vmem>> -> memref<1x1x32x128xf32, #tpu.memory_space<vmem>>
    %dma_wait3A_69 = tpu.memref_squeeze %dma_wait3A_68 : memref<1x1x32x128xf32, #tpu.memory_space<vmem>> -> memref<32x128xf32, #tpu.memory_space<vmem>>
    %dma_wait3A_70 = arith.constant 0 : i32
    %dma_wait3A_71 = tpu.memref_slice %arg4[%select_n3A, %dma_wait3A_70] : memref<204800x128xf32, #tpu.memory_space<hbm>> -> memref<32x128xf32, #tpu.memory_space<hbm>>
    %dma_wait3A_72 = tpu.memref_slice %arg10[%dma_wait3A_65] : memref<2x!tpu.dma_semaphore, #tpu.memory_space<semaphore_mem>> -> memref<1x!tpu.dma_semaphore, #tpu.memory_space<semaphore_mem>>
    %dma_wait3A_73 = tpu.memref_squeeze %dma_wait3A_72 : memref<1x!tpu.dma_semaphore, #tpu.memory_space<semaphore_mem>> -> memref<!tpu.dma_semaphore, #tpu.memory_space<semaphore_mem>>
    %dma_wait3A_74 = arith.constant 0 : i32
    %dma_wait3A_75 = tpu.memref_slice %arg4[%select_n3A, %dma_wait3A_74] : memref<204800x128xf32, #tpu.memory_space<hbm>> -> memref<32x128xf32, #tpu.memory_space<hbm>>
    %dma_wait3A_76 = arith.constant 0 : i32
    %dma_wait3A_77 = arith.constant 0 : i32
    %dma_wait3A_78 = tpu.memref_slice %arg8[%dma_wait3A, %dma_wait3A_64, %dma_wait3A_76, %dma_wait3A_77] : memref<2x2x64x137xf32, #tpu.memory_space<vmem>> -> memref<1x1x32x128xf32, #tpu.memory_space<vmem>>
    %dma_wait3A_79 = tpu.memref_squeeze %dma_wait3A_78 : memref<1x1x32x128xf32, #tpu.memory_space<vmem>> -> memref<32x128xf32, #tpu.memory_space<vmem>>
    tpu.wait_dma2 semaphore(%dma_wait3A_73 : memref<!tpu.dma_semaphore, #tpu.memory_space<semaphore_mem>>) src(%dma_wait3A_79 : memref<32x128xf32, #tpu.memory_space<vmem>>) dst(%dma_wait3A_75 : memref<32x128xf32, #tpu.memory_space<hbm>>)
    %mul3A_80 = arith.constant 32 : i32
    %mul3A_81 = arith.muli %add3A, %mul3A_80 : i32
    %mul3A_82 = arith.constant 128 : i32
    %mul3A_83 = arith.muli %mul3A_81, %mul3A_82 : i32
    %add3A_84 = arith.constant 25296896 : i32
    %add3A_85 = arith.addi %add3A_84, %mul3A_83 : i32
    %jit3A_86 = arith.constant 128 : i32
    %div3A_87 = arith.divsi %add3A_85, %jit3A_86 : i32
    %sign3A_88 = arith.constant 0 : i32
    %sign3A_89 = arith.cmpi sgt, %add3A_85, %sign3A_88 : i32
    %sign3A_90 = arith.extui %sign3A_89 : i1 to i32
    %sign3A_91 = arith.constant 0 : i32
    %sign3A_92 = arith.cmpi slt, %add3A_85, %sign3A_91 : i32
    %sign3A_93 = arith.extui %sign3A_92 : i1 to i32
    %sign3A_94 = arith.subi %sign3A_90, %sign3A_93 : i32
    %sign3A_95 = arith.constant 0 : i32
    %sign3A_96 = arith.cmpi sgt, %jit3A_86, %sign3A_95 : i32
    %sign3A_97 = arith.extui %sign3A_96 : i1 to i32
    %sign3A_98 = arith.constant 0 : i32
    %sign3A_99 = arith.cmpi slt, %jit3A_86, %sign3A_98 : i32
    %sign3A_100 = arith.extui %sign3A_99 : i1 to i32
    %sign3A_101 = arith.subi %sign3A_97, %sign3A_100 : i32
    %ne3A_102 = arith.cmpi ne, %sign3A_94, %sign3A_101 : i32
    %rem3A_103 = arith.remsi %add3A_85, %jit3A_86 : i32
    %ne3A_104 = arith.constant 0 : i32
    %ne3A_105 = arith.cmpi ne, %rem3A_103, %ne3A_104 : i32
    %and3A_106 = arith.andi %ne3A_102, %ne3A_105 : i1
    %sub3A_107 = arith.constant 1 : i32
    %sub3A_108 = arith.subi %div3A_87, %sub3A_107 : i32
    %select_n3A_109 = arith.select %and3A_106, %sub3A_108, %div3A_87 : i32
    %dma_wait3A_110 = arith.constant 0 : i32
    %dma_wait3A_111 = arith.constant 0 : i32
    %dma_wait3A_112 = arith.constant 0 : i32
    %dma_wait3A_113 = arith.constant 32 : i32
    %dma_wait3A_114 = arith.constant 0 : i32
    %dma_wait3A_115 = tpu.memref_slice %arg8[%dma_wait3A_110, %dma_wait3A_111, %dma_wait3A_113, %dma_wait3A_114] : memref<2x2x64x137xf32, #tpu.memory_space<vmem>> -> memref<1x1x32x128xf32, #tpu.memory_space<vmem>>
    %dma_wait3A_116 = tpu.memref_squeeze %dma_wait3A_115 : memref<1x1x32x128xf32, #tpu.memory_space<vmem>> -> memref<32x128xf32, #tpu.memory_space<vmem>>
    %dma_wait3A_117 = arith.constant 0 : i32
    %dma_wait3A_118 = tpu.memref_slice %arg4[%select_n3A_109, %dma_wait3A_117] : memref<204800x128xf32, #tpu.memory_space<hbm>> -> memref<32x128xf32, #tpu.memory_space<hbm>>
    %dma_wait3A_119 = tpu.memref_slice %arg10[%dma_wait3A_112] : memref<2x!tpu.dma_semaphore, #tpu.memory_space<semaphore_mem>> -> memref<1x!tpu.dma_semaphore, #tpu.memory_space<semaphore_mem>>
    %dma_wait3A_120 = tpu.memref_squeeze %dma_wait3A_119 : memref<1x!tpu.dma_semaphore, #tpu.memory_space<semaphore_mem>> -> memref<!tpu.dma_semaphore, #tpu.memory_space<semaphore_mem>>
    %dma_wait3A_121 = arith.constant 0 : i32
    %dma_wait3A_122 = tpu.memref_slice %arg4[%select_n3A_109, %dma_wait3A_121] : memref<204800x128xf32, #tpu.memory_space<hbm>> -> memref<32x128xf32, #tpu.memory_space<hbm>>
    %dma_wait3A_123 = arith.constant 32 : i32
    %dma_wait3A_124 = arith.constant 0 : i32
    %dma_wait3A_125 = tpu.memref_slice %arg8[%dma_wait3A_110, %dma_wait3A_111, %dma_wait3A_123, %dma_wait3A_124] : memref<2x2x64x137xf32, #tpu.memory_space<vmem>> -> memref<1x1x32x128xf32, #tpu.memory_space<vmem>>
    %dma_wait3A_126 = tpu.memref_squeeze %dma_wait3A_125 : memref<1x1x32x128xf32, #tpu.memory_space<vmem>> -> memref<32x128xf32, #tpu.memory_space<vmem>>
    tpu.wait_dma2 semaphore(%dma_wait3A_120 : memref<!tpu.dma_semaphore, #tpu.memory_space<semaphore_mem>>) src(%dma_wait3A_126 : memref<32x128xf32, #tpu.memory_space<vmem>>) dst(%dma_wait3A_122 : memref<32x128xf32, #tpu.memory_space<hbm>>)
    %mul3A_127 = arith.constant 32 : i32
    %mul3A_128 = arith.muli %add3A, %mul3A_127 : i32
    %mul3A_129 = arith.constant 128 : i32
    %mul3A_130 = arith.muli %mul3A_128, %mul3A_129 : i32
    %add3A_131 = arith.constant 25427968 : i32
    %add3A_132 = arith.addi %add3A_131, %mul3A_130 : i32
    %jit3A_133 = arith.constant 128 : i32
    %div3A_134 = arith.divsi %add3A_132, %jit3A_133 : i32
    %sign3A_135 = arith.constant 0 : i32
    %sign3A_136 = arith.cmpi sgt, %add3A_132, %sign3A_135 : i32
    %sign3A_137 = arith.extui %sign3A_136 : i1 to i32
    %sign3A_138 = arith.constant 0 : i32
    %sign3A_139 = arith.cmpi slt, %add3A_132, %sign3A_138 : i32
    %sign3A_140 = arith.extui %sign3A_139 : i1 to i32
    %sign3A_141 = arith.subi %sign3A_137, %sign3A_140 : i32
    %sign3A_142 = arith.constant 0 : i32
    %sign3A_143 = arith.cmpi sgt, %jit3A_133, %sign3A_142 : i32
    %sign3A_144 = arith.extui %sign3A_143 : i1 to i32
    %sign3A_145 = arith.constant 0 : i32
    %sign3A_146 = arith.cmpi slt, %jit3A_133, %sign3A_145 : i32
    %sign3A_147 = arith.extui %sign3A_146 : i1 to i32
    %sign3A_148 = arith.subi %sign3A_144, %sign3A_147 : i32
    %ne3A_149 = arith.cmpi ne, %sign3A_141, %sign3A_148 : i32
    %rem3A_150 = arith.remsi %add3A_132, %jit3A_133 : i32
    %ne3A_151 = arith.constant 0 : i32
    %ne3A_152 = arith.cmpi ne, %rem3A_150, %ne3A_151 : i32
    %and3A_153 = arith.andi %ne3A_149, %ne3A_152 : i1
    %sub3A_154 = arith.constant 1 : i32
    %sub3A_155 = arith.subi %div3A_134, %sub3A_154 : i32
    %select_n3A_156 = arith.select %and3A_153, %sub3A_155, %div3A_134 : i32
    %dma_wait3A_157 = arith.constant 0 : i32
    %dma_wait3A_158 = arith.constant 1 : i32
    %dma_wait3A_159 = arith.constant 0 : i32
    %dma_wait3A_160 = arith.constant 0 : i32
    %dma_wait3A_161 = arith.constant 0 : i32
    %dma_wait3A_162 = tpu.memref_slice %arg8[%dma_wait3A_157, %dma_wait3A_158, %dma_wait3A_160, %dma_wait3A_161] : memref<2x2x64x137xf32, #tpu.memory_space<vmem>> -> memref<1x1x32x128xf32, #tpu.memory_space<vmem>>
    %dma_wait3A_163 = tpu.memref_squeeze %dma_wait3A_162 : memref<1x1x32x128xf32, #tpu.memory_space<vmem>> -> memref<32x128xf32, #tpu.memory_space<vmem>>
    %dma_wait3A_164 = arith.constant 0 : i32
    %dma_wait3A_165 = tpu.memref_slice %arg4[%select_n3A_156, %dma_wait3A_164] : memref<204800x128xf32, #tpu.memory_space<hbm>> -> memref<32x128xf32, #tpu.memory_space<hbm>>
    %dma_wait3A_166 = tpu.memref_slice %arg10[%dma_wait3A_159] : memref<2x!tpu.dma_semaphore, #tpu.memory_space<semaphore_mem>> -> memref<1x!tpu.dma_semaphore, #tpu.memory_space<semaphore_mem>>
    %dma_wait3A_167 = tpu.memref_squeeze %dma_wait3A_166 : memref<1x!tpu.dma_semaphore, #tpu.memory_space<semaphore_mem>> -> memref<!tpu.dma_semaphore, #tpu.memory_space<semaphore_mem>>
    %dma_wait3A_168 = arith.constant 0 : i32
    %dma_wait3A_169 = tpu.memref_slice %arg4[%select_n3A_156, %dma_wait3A_168] : memref<204800x128xf32, #tpu.memory_space<hbm>> -> memref<32x128xf32, #tpu.memory_space<hbm>>
    %dma_wait3A_170 = arith.constant 0 : i32
    %dma_wait3A_171 = arith.constant 0 : i32
    %dma_wait3A_172 = tpu.memref_slice %arg8[%dma_wait3A_157, %dma_wait3A_158, %dma_wait3A_170, %dma_wait3A_171] : memref<2x2x64x137xf32, #tpu.memory_space<vmem>> -> memref<1x1x32x128xf32, #tpu.memory_space<vmem>>
    %dma_wait3A_173 = tpu.memref_squeeze %dma_wait3A_172 : memref<1x1x32x128xf32, #tpu.memory_space<vmem>> -> memref<32x128xf32, #tpu.memory_space<vmem>>
    tpu.wait_dma2 semaphore(%dma_wait3A_167 : memref<!tpu.dma_semaphore, #tpu.memory_space<semaphore_mem>>) src(%dma_wait3A_173 : memref<32x128xf32, #tpu.memory_space<vmem>>) dst(%dma_wait3A_169 : memref<32x128xf32, #tpu.memory_space<hbm>>)
    %mul3A_174 = arith.constant 32 : i32
    %mul3A_175 = arith.muli %add3A, %mul3A_174 : i32
    %mul3A_176 = arith.constant 128 : i32
    %mul3A_177 = arith.muli %mul3A_175, %mul3A_176 : i32
    %add3A_178 = arith.constant 25559040 : i32
    %add3A_179 = arith.addi %add3A_178, %mul3A_177 : i32
    %jit3A_180 = arith.constant 128 : i32
    %div3A_181 = arith.divsi %add3A_179, %jit3A_180 : i32
    %sign3A_182 = arith.constant 0 : i32
    %sign3A_183 = arith.cmpi sgt, %add3A_179, %sign3A_182 : i32
    %sign3A_184 = arith.extui %sign3A_183 : i1 to i32
    %sign3A_185 = arith.constant 0 : i32
    %sign3A_186 = arith.cmpi slt, %add3A_179, %sign3A_185 : i32
    %sign3A_187 = arith.extui %sign3A_186 : i1 to i32
    %sign3A_188 = arith.subi %sign3A_184, %sign3A_187 : i32
    %sign3A_189 = arith.constant 0 : i32
    %sign3A_190 = arith.cmpi sgt, %jit3A_180, %sign3A_189 : i32
    %sign3A_191 = arith.extui %sign3A_190 : i1 to i32
    %sign3A_192 = arith.constant 0 : i32
    %sign3A_193 = arith.cmpi slt, %jit3A_180, %sign3A_192 : i32
    %sign3A_194 = arith.extui %sign3A_193 : i1 to i32
    %sign3A_195 = arith.subi %sign3A_191, %sign3A_194 : i32
    %ne3A_196 = arith.cmpi ne, %sign3A_188, %sign3A_195 : i32
    %rem3A_197 = arith.remsi %add3A_179, %jit3A_180 : i32
    %ne3A_198 = arith.constant 0 : i32
    %ne3A_199 = arith.cmpi ne, %rem3A_197, %ne3A_198 : i32
    %and3A_200 = arith.andi %ne3A_196, %ne3A_199 : i1
    %sub3A_201 = arith.constant 1 : i32
    %sub3A_202 = arith.subi %div3A_181, %sub3A_201 : i32
    %select_n3A_203 = arith.select %and3A_200, %sub3A_202, %div3A_181 : i32
    %dma_wait3A_204 = arith.constant 0 : i32
    %dma_wait3A_205 = arith.constant 1 : i32
    %dma_wait3A_206 = arith.constant 0 : i32
    %dma_wait3A_207 = arith.constant 32 : i32
    %dma_wait3A_208 = arith.constant 0 : i32
    %dma_wait3A_209 = tpu.memref_slice %arg8[%dma_wait3A_204, %dma_wait3A_205, %dma_wait3A_207, %dma_wait3A_208] : memref<2x2x64x137xf32, #tpu.memory_space<vmem>> -> memref<1x1x32x128xf32, #tpu.memory_space<vmem>>
    %dma_wait3A_210 = tpu.memref_squeeze %dma_wait3A_209 : memref<1x1x32x128xf32, #tpu.memory_space<vmem>> -> memref<32x128xf32, #tpu.memory_space<vmem>>
    %dma_wait3A_211 = arith.constant 0 : i32
    %dma_wait3A_212 = tpu.memref_slice %arg4[%select_n3A_203, %dma_wait3A_211] : memref<204800x128xf32, #tpu.memory_space<hbm>> -> memref<32x128xf32, #tpu.memory_space<hbm>>
    %dma_wait3A_213 = tpu.memref_slice %arg10[%dma_wait3A_206] : memref<2x!tpu.dma_semaphore, #tpu.memory_space<semaphore_mem>> -> memref<1x!tpu.dma_semaphore, #tpu.memory_space<semaphore_mem>>
    %dma_wait3A_214 = tpu.memref_squeeze %dma_wait3A_213 : memref<1x!tpu.dma_semaphore, #tpu.memory_space<semaphore_mem>> -> memref<!tpu.dma_semaphore, #tpu.memory_space<semaphore_mem>>
    %dma_wait3A_215 = arith.constant 0 : i32
    %dma_wait3A_216 = tpu.memref_slice %arg4[%select_n3A_203, %dma_wait3A_215] : memref<204800x128xf32, #tpu.memory_space<hbm>> -> memref<32x128xf32, #tpu.memory_space<hbm>>
    %dma_wait3A_217 = arith.constant 32 : i32
    %dma_wait3A_218 = arith.constant 0 : i32
    %dma_wait3A_219 = tpu.memref_slice %arg8[%dma_wait3A_204, %dma_wait3A_205, %dma_wait3A_217, %dma_wait3A_218] : memref<2x2x64x137xf32, #tpu.memory_space<vmem>> -> memref<1x1x32x128xf32, #tpu.memory_space<vmem>>
    %dma_wait3A_220 = tpu.memref_squeeze %dma_wait3A_219 : memref<1x1x32x128xf32, #tpu.memory_space<vmem>> -> memref<32x128xf32, #tpu.memory_space<vmem>>
    tpu.wait_dma2 semaphore(%dma_wait3A_214 : memref<!tpu.dma_semaphore, #tpu.memory_space<semaphore_mem>>) src(%dma_wait3A_220 : memref<32x128xf32, #tpu.memory_space<vmem>>) dst(%dma_wait3A_216 : memref<32x128xf32, #tpu.memory_space<hbm>>)
    %mul3A_221 = arith.constant 32 : i32
    %mul3A_222 = arith.muli %add3A, %mul3A_221 : i32
    %mul3A_223 = arith.constant 128 : i32
    %mul3A_224 = arith.muli %mul3A_222, %mul3A_223 : i32
    %add3A_225 = arith.constant 25690112 : i32
    %add3A_226 = arith.addi %add3A_225, %mul3A_224 : i32
    %jit3A_227 = arith.constant 128 : i32
    %div3A_228 = arith.divsi %add3A_226, %jit3A_227 : i32
    %sign3A_229 = arith.constant 0 : i32
    %sign3A_230 = arith.cmpi sgt, %add3A_226, %sign3A_229 : i32
    %sign3A_231 = arith.extui %sign3A_230 : i1 to i32
    %sign3A_232 = arith.constant 0 : i32
    %sign3A_233 = arith.cmpi slt, %add3A_226, %sign3A_232 : i32
    %sign3A_234 = arith.extui %sign3A_233 : i1 to i32
    %sign3A_235 = arith.subi %sign3A_231, %sign3A_234 : i32
    %sign3A_236 = arith.constant 0 : i32
    %sign3A_237 = arith.cmpi sgt, %jit3A_227, %sign3A_236 : i32
    %sign3A_238 = arith.extui %sign3A_237 : i1 to i32
    %sign3A_239 = arith.constant 0 : i32
    %sign3A_240 = arith.cmpi slt, %jit3A_227, %sign3A_239 : i32
    %sign3A_241 = arith.extui %sign3A_240 : i1 to i32
    %sign3A_242 = arith.subi %sign3A_238, %sign3A_241 : i32
    %ne3A_243 = arith.cmpi ne, %sign3A_235, %sign3A_242 : i32
    %rem3A_244 = arith.remsi %add3A_226, %jit3A_227 : i32
    %ne3A_245 = arith.constant 0 : i32
    %ne3A_246 = arith.cmpi ne, %rem3A_244, %ne3A_245 : i32
    %and3A_247 = arith.andi %ne3A_243, %ne3A_246 : i1
    %sub3A_248 = arith.constant 1 : i32
    %sub3A_249 = arith.subi %div3A_228, %sub3A_248 : i32
    %select_n3A_250 = arith.select %and3A_247, %sub3A_249, %div3A_228 : i32
    %dma_wait3A_251 = arith.constant 1 : i32
    %dma_wait3A_252 = arith.constant 0 : i32
    %dma_wait3A_253 = arith.constant 1 : i32
    %dma_wait3A_254 = arith.constant 0 : i32
    %dma_wait3A_255 = arith.constant 0 : i32
    %dma_wait3A_256 = tpu.memref_slice %arg8[%dma_wait3A_251, %dma_wait3A_252, %dma_wait3A_254, %dma_wait3A_255] : memref<2x2x64x137xf32, #tpu.memory_space<vmem>> -> memref<1x1x32x128xf32, #tpu.memory_space<vmem>>
    %dma_wait3A_257 = tpu.memref_squeeze %dma_wait3A_256 : memref<1x1x32x128xf32, #tpu.memory_space<vmem>> -> memref<32x128xf32, #tpu.memory_space<vmem>>
    %dma_wait3A_258 = arith.constant 0 : i32
    %dma_wait3A_259 = tpu.memref_slice %arg4[%select_n3A_250, %dma_wait3A_258] : memref<204800x128xf32, #tpu.memory_space<hbm>> -> memref<32x128xf32, #tpu.memory_space<hbm>>
    %dma_wait3A_260 = tpu.memref_slice %arg10[%dma_wait3A_253] : memref<2x!tpu.dma_semaphore, #tpu.memory_space<semaphore_mem>> -> memref<1x!tpu.dma_semaphore, #tpu.memory_space<semaphore_mem>>
    %dma_wait3A_261 = tpu.memref_squeeze %dma_wait3A_260 : memref<1x!tpu.dma_semaphore, #tpu.memory_space<semaphore_mem>> -> memref<!tpu.dma_semaphore, #tpu.memory_space<semaphore_mem>>
    %dma_wait3A_262 = arith.constant 0 : i32
    %dma_wait3A_263 = tpu.memref_slice %arg4[%select_n3A_250, %dma_wait3A_262] : memref<204800x128xf32, #tpu.memory_space<hbm>> -> memref<32x128xf32, #tpu.memory_space<hbm>>
    %dma_wait3A_264 = arith.constant 0 : i32
    %dma_wait3A_265 = arith.constant 0 : i32
    %dma_wait3A_266 = tpu.memref_slice %arg8[%dma_wait3A_251, %dma_wait3A_252, %dma_wait3A_264, %dma_wait3A_265] : memref<2x2x64x137xf32, #tpu.memory_space<vmem>> -> memref<1x1x32x128xf32, #tpu.memory_space<vmem>>
    %dma_wait3A_267 = tpu.memref_squeeze %dma_wait3A_266 : memref<1x1x32x128xf32, #tpu.memory_space<vmem>> -> memref<32x128xf32, #tpu.memory_space<vmem>>
    tpu.wait_dma2 semaphore(%dma_wait3A_261 : memref<!tpu.dma_semaphore, #tpu.memory_space<semaphore_mem>>) src(%dma_wait3A_267 : memref<32x128xf32, #tpu.memory_space<vmem>>) dst(%dma_wait3A_263 : memref<32x128xf32, #tpu.memory_space<hbm>>)
    %mul3A_268 = arith.constant 32 : i32
    %mul3A_269 = arith.muli %add3A, %mul3A_268 : i32
    %mul3A_270 = arith.constant 128 : i32
    %mul3A_271 = arith.muli %mul3A_269, %mul3A_270 : i32
    %add3A_272 = arith.constant 25821184 : i32
    %add3A_273 = arith.addi %add3A_272, %mul3A_271 : i32
    %jit3A_274 = arith.constant 128 : i32
    %div3A_275 = arith.divsi %add3A_273, %jit3A_274 : i32
    %sign3A_276 = arith.constant 0 : i32
    %sign3A_277 = arith.cmpi sgt, %add3A_273, %sign3A_276 : i32
    %sign3A_278 = arith.extui %sign3A_277 : i1 to i32
    %sign3A_279 = arith.constant 0 : i32
    %sign3A_280 = arith.cmpi slt, %add3A_273, %sign3A_279 : i32
    %sign3A_281 = arith.extui %sign3A_280 : i1 to i32
    %sign3A_282 = arith.subi %sign3A_278, %sign3A_281 : i32
    %sign3A_283 = arith.constant 0 : i32
    %sign3A_284 = arith.cmpi sgt, %jit3A_274, %sign3A_283 : i32
    %sign3A_285 = arith.extui %sign3A_284 : i1 to i32
    %sign3A_286 = arith.constant 0 : i32
    %sign3A_287 = arith.cmpi slt, %jit3A_274, %sign3A_286 : i32
    %sign3A_288 = arith.extui %sign3A_287 : i1 to i32
    %sign3A_289 = arith.subi %sign3A_285, %sign3A_288 : i32
    %ne3A_290 = arith.cmpi ne, %sign3A_282, %sign3A_289 : i32
    %rem3A_291 = arith.remsi %add3A_273, %jit3A_274 : i32
    %ne3A_292 = arith.constant 0 : i32
    %ne3A_293 = arith.cmpi ne, %rem3A_291, %ne3A_292 : i32
    %and3A_294 = arith.andi %ne3A_290, %ne3A_293 : i1
    %sub3A_295 = arith.constant 1 : i32
    %sub3A_296 = arith.subi %div3A_275, %sub3A_295 : i32
    %select_n3A_297 = arith.select %and3A_294, %sub3A_296, %div3A_275 : i32
    %dma_wait3A_298 = arith.constant 1 : i32
    %dma_wait3A_299 = arith.constant 0 : i32
    %dma_wait3A_300 = arith.constant 1 : i32
    %dma_wait3A_301 = arith.constant 32 : i32
    %dma_wait3A_302 = arith.constant 0 : i32
    %dma_wait3A_303 = tpu.memref_slice %arg8[%dma_wait3A_298, %dma_wait3A_299, %dma_wait3A_301, %dma_wait3A_302] : memref<2x2x64x137xf32, #tpu.memory_space<vmem>> -> memref<1x1x32x128xf32, #tpu.memory_space<vmem>>
    %dma_wait3A_304 = tpu.memref_squeeze %dma_wait3A_303 : memref<1x1x32x128xf32, #tpu.memory_space<vmem>> -> memref<32x128xf32, #tpu.memory_space<vmem>>
    %dma_wait3A_305 = arith.constant 0 : i32
    %dma_wait3A_306 = tpu.memref_slice %arg4[%select_n3A_297, %dma_wait3A_305] : memref<204800x128xf32, #tpu.memory_space<hbm>> -> memref<32x128xf32, #tpu.memory_space<hbm>>
    %dma_wait3A_307 = tpu.memref_slice %arg10[%dma_wait3A_300] : memref<2x!tpu.dma_semaphore, #tpu.memory_space<semaphore_mem>> -> memref<1x!tpu.dma_semaphore, #tpu.memory_space<semaphore_mem>>
    %dma_wait3A_308 = tpu.memref_squeeze %dma_wait3A_307 : memref<1x!tpu.dma_semaphore, #tpu.memory_space<semaphore_mem>> -> memref<!tpu.dma_semaphore, #tpu.memory_space<semaphore_mem>>
    %dma_wait3A_309 = arith.constant 0 : i32
    %dma_wait3A_310 = tpu.memref_slice %arg4[%select_n3A_297, %dma_wait3A_309] : memref<204800x128xf32, #tpu.memory_space<hbm>> -> memref<32x128xf32, #tpu.memory_space<hbm>>
    %dma_wait3A_311 = arith.constant 32 : i32
    %dma_wait3A_312 = arith.constant 0 : i32
    %dma_wait3A_313 = tpu.memref_slice %arg8[%dma_wait3A_298, %dma_wait3A_299, %dma_wait3A_311, %dma_wait3A_312] : memref<2x2x64x137xf32, #tpu.memory_space<vmem>> -> memref<1x1x32x128xf32, #tpu.memory_space<vmem>>
    %dma_wait3A_314 = tpu.memref_squeeze %dma_wait3A_313 : memref<1x1x32x128xf32, #tpu.memory_space<vmem>> -> memref<32x128xf32, #tpu.memory_space<vmem>>
    tpu.wait_dma2 semaphore(%dma_wait3A_308 : memref<!tpu.dma_semaphore, #tpu.memory_space<semaphore_mem>>) src(%dma_wait3A_314 : memref<32x128xf32, #tpu.memory_space<vmem>>) dst(%dma_wait3A_310 : memref<32x128xf32, #tpu.memory_space<hbm>>)
    %mul3A_315 = arith.constant 32 : i32
    %mul3A_316 = arith.muli %add3A, %mul3A_315 : i32
    %mul3A_317 = arith.constant 128 : i32
    %mul3A_318 = arith.muli %mul3A_316, %mul3A_317 : i32
    %add3A_319 = arith.constant 25952256 : i32
    %add3A_320 = arith.addi %add3A_319, %mul3A_318 : i32
    %jit3A_321 = arith.constant 128 : i32
    %div3A_322 = arith.divsi %add3A_320, %jit3A_321 : i32
    %sign3A_323 = arith.constant 0 : i32
    %sign3A_324 = arith.cmpi sgt, %add3A_320, %sign3A_323 : i32
    %sign3A_325 = arith.extui %sign3A_324 : i1 to i32
    %sign3A_326 = arith.constant 0 : i32
    %sign3A_327 = arith.cmpi slt, %add3A_320, %sign3A_326 : i32
    %sign3A_328 = arith.extui %sign3A_327 : i1 to i32
    %sign3A_329 = arith.subi %sign3A_325, %sign3A_328 : i32
    %sign3A_330 = arith.constant 0 : i32
    %sign3A_331 = arith.cmpi sgt, %jit3A_321, %sign3A_330 : i32
    %sign3A_332 = arith.extui %sign3A_331 : i1 to i32
    %sign3A_333 = arith.constant 0 : i32
    %sign3A_334 = arith.cmpi slt, %jit3A_321, %sign3A_333 : i32
    %sign3A_335 = arith.extui %sign3A_334 : i1 to i32
    %sign3A_336 = arith.subi %sign3A_332, %sign3A_335 : i32
    %ne3A_337 = arith.cmpi ne, %sign3A_329, %sign3A_336 : i32
    %rem3A_338 = arith.remsi %add3A_320, %jit3A_321 : i32
    %ne3A_339 = arith.constant 0 : i32
    %ne3A_340 = arith.cmpi ne, %rem3A_338, %ne3A_339 : i32
    %and3A_341 = arith.andi %ne3A_337, %ne3A_340 : i1
    %sub3A_342 = arith.constant 1 : i32
    %sub3A_343 = arith.subi %div3A_322, %sub3A_342 : i32
    %select_n3A_344 = arith.select %and3A_341, %sub3A_343, %div3A_322 : i32
    %dma_wait3A_345 = arith.constant 1 : i32
    %dma_wait3A_346 = arith.constant 1 : i32
    %dma_wait3A_347 = arith.constant 1 : i32
    %dma_wait3A_348 = arith.constant 0 : i32
    %dma_wait3A_349 = arith.constant 0 : i32
    %dma_wait3A_350 = tpu.memref_slice %arg8[%dma_wait3A_345, %dma_wait3A_346, %dma_wait3A_348, %dma_wait3A_349] : memref<2x2x64x137xf32, #tpu.memory_space<vmem>> -> memref<1x1x32x128xf32, #tpu.memory_space<vmem>>
    %dma_wait3A_351 = tpu.memref_squeeze %dma_wait3A_350 : memref<1x1x32x128xf32, #tpu.memory_space<vmem>> -> memref<32x128xf32, #tpu.memory_space<vmem>>
    %dma_wait3A_352 = arith.constant 0 : i32
    %dma_wait3A_353 = tpu.memref_slice %arg4[%select_n3A_344, %dma_wait3A_352] : memref<204800x128xf32, #tpu.memory_space<hbm>> -> memref<32x128xf32, #tpu.memory_space<hbm>>
    %dma_wait3A_354 = tpu.memref_slice %arg10[%dma_wait3A_347] : memref<2x!tpu.dma_semaphore, #tpu.memory_space<semaphore_mem>> -> memref<1x!tpu.dma_semaphore, #tpu.memory_space<semaphore_mem>>
    %dma_wait3A_355 = tpu.memref_squeeze %dma_wait3A_354 : memref<1x!tpu.dma_semaphore, #tpu.memory_space<semaphore_mem>> -> memref<!tpu.dma_semaphore, #tpu.memory_space<semaphore_mem>>
    %dma_wait3A_356 = arith.constant 0 : i32
    %dma_wait3A_357 = tpu.memref_slice %arg4[%select_n3A_344, %dma_wait3A_356] : memref<204800x128xf32, #tpu.memory_space<hbm>> -> memref<32x128xf32, #tpu.memory_space<hbm>>
    %dma_wait3A_358 = arith.constant 0 : i32
    %dma_wait3A_359 = arith.constant 0 : i32
    %dma_wait3A_360 = tpu.memref_slice %arg8[%dma_wait3A_345, %dma_wait3A_346, %dma_wait3A_358, %dma_wait3A_359] : memref<2x2x64x137xf32, #tpu.memory_space<vmem>> -> memref<1x1x32x128xf32, #tpu.memory_space<vmem>>
    %dma_wait3A_361 = tpu.memref_squeeze %dma_wait3A_360 : memref<1x1x32x128xf32, #tpu.memory_space<vmem>> -> memref<32x128xf32, #tpu.memory_space<vmem>>
    tpu.wait_dma2 semaphore(%dma_wait3A_355 : memref<!tpu.dma_semaphore, #tpu.memory_space<semaphore_mem>>) src(%dma_wait3A_361 : memref<32x128xf32, #tpu.memory_space<vmem>>) dst(%dma_wait3A_357 : memref<32x128xf32, #tpu.memory_space<hbm>>)
    %mul3A_362 = arith.constant 32 : i32
    %mul3A_363 = arith.muli %add3A, %mul3A_362 : i32
    %mul3A_364 = arith.constant 128 : i32
    %mul3A_365 = arith.muli %mul3A_363, %mul3A_364 : i32
    %add3A_366 = arith.constant 26083328 : i32
    %add3A_367 = arith.addi %add3A_366, %mul3A_365 : i32
    %jit3A_368 = arith.constant 128 : i32
    %div3A_369 = arith.divsi %add3A_367, %jit3A_368 : i32
    %sign3A_370 = arith.constant 0 : i32
    %sign3A_371 = arith.cmpi sgt, %add3A_367, %sign3A_370 : i32
    %sign3A_372 = arith.extui %sign3A_371 : i1 to i32
    %sign3A_373 = arith.constant 0 : i32
    %sign3A_374 = arith.cmpi slt, %add3A_367, %sign3A_373 : i32
    %sign3A_375 = arith.extui %sign3A_374 : i1 to i32
    %sign3A_376 = arith.subi %sign3A_372, %sign3A_375 : i32
    %sign3A_377 = arith.constant 0 : i32
    %sign3A_378 = arith.cmpi sgt, %jit3A_368, %sign3A_377 : i32
    %sign3A_379 = arith.extui %sign3A_378 : i1 to i32
    %sign3A_380 = arith.constant 0 : i32
    %sign3A_381 = arith.cmpi slt, %jit3A_368, %sign3A_380 : i32
    %sign3A_382 = arith.extui %sign3A_381 : i1 to i32
    %sign3A_383 = arith.subi %sign3A_379, %sign3A_382 : i32
    %ne3A_384 = arith.cmpi ne, %sign3A_376, %sign3A_383 : i32
    %rem3A_385 = arith.remsi %add3A_367, %jit3A_368 : i32
    %ne3A_386 = arith.constant 0 : i32
    %ne3A_387 = arith.cmpi ne, %rem3A_385, %ne3A_386 : i32
    %and3A_388 = arith.andi %ne3A_384, %ne3A_387 : i1
    %sub3A_389 = arith.constant 1 : i32
    %sub3A_390 = arith.subi %div3A_369, %sub3A_389 : i32
    %select_n3A_391 = arith.select %and3A_388, %sub3A_390, %div3A_369 : i32
    %dma_wait3A_392 = arith.constant 1 : i32
    %dma_wait3A_393 = arith.constant 1 : i32
    %dma_wait3A_394 = arith.constant 1 : i32
    %dma_wait3A_395 = arith.constant 32 : i32
    %dma_wait3A_396 = arith.constant 0 : i32
    %dma_wait3A_397 = tpu.memref_slice %arg8[%dma_wait3A_392, %dma_wait3A_393, %dma_wait3A_395, %dma_wait3A_396] : memref<2x2x64x137xf32, #tpu.memory_space<vmem>> -> memref<1x1x32x128xf32, #tpu.memory_space<vmem>>
    %dma_wait3A_398 = tpu.memref_squeeze %dma_wait3A_397 : memref<1x1x32x128xf32, #tpu.memory_space<vmem>> -> memref<32x128xf32, #tpu.memory_space<vmem>>
    %dma_wait3A_399 = arith.constant 0 : i32
    %dma_wait3A_400 = tpu.memref_slice %arg4[%select_n3A_391, %dma_wait3A_399] : memref<204800x128xf32, #tpu.memory_space<hbm>> -> memref<32x128xf32, #tpu.memory_space<hbm>>
    %dma_wait3A_401 = tpu.memref_slice %arg10[%dma_wait3A_394] : memref<2x!tpu.dma_semaphore, #tpu.memory_space<semaphore_mem>> -> memref<1x!tpu.dma_semaphore, #tpu.memory_space<semaphore_mem>>
    %dma_wait3A_402 = tpu.memref_squeeze %dma_wait3A_401 : memref<1x!tpu.dma_semaphore, #tpu.memory_space<semaphore_mem>> -> memref<!tpu.dma_semaphore, #tpu.memory_space<semaphore_mem>>
    %dma_wait3A_403 = arith.constant 0 : i32
    %dma_wait3A_404 = tpu.memref_slice %arg4[%select_n3A_391, %dma_wait3A_403] : memref<204800x128xf32, #tpu.memory_space<hbm>> -> memref<32x128xf32, #tpu.memory_space<hbm>>
    %dma_wait3A_405 = arith.constant 32 : i32
    %dma_wait3A_406 = arith.constant 0 : i32
    %dma_wait3A_407 = tpu.memref_slice %arg8[%dma_wait3A_392, %dma_wait3A_393, %dma_wait3A_405, %dma_wait3A_406] : memref<2x2x64x137xf32, #tpu.memory_space<vmem>> -> memref<1x1x32x128xf32, #tpu.memory_space<vmem>>
    %dma_wait3A_408 = tpu.memref_squeeze %dma_wait3A_407 : memref<1x1x32x128xf32, #tpu.memory_space<vmem>> -> memref<32x128xf32, #tpu.memory_space<vmem>>
    tpu.wait_dma2 semaphore(%dma_wait3A_402 : memref<!tpu.dma_semaphore, #tpu.memory_space<semaphore_mem>>) src(%dma_wait3A_408 : memref<32x128xf32, #tpu.memory_space<vmem>>) dst(%dma_wait3A_404 : memref<32x128xf32, #tpu.memory_space<hbm>>)
    return
  }
}

</mosaic_0001>

<sc_bundles>
// kernel: kernel.3.cloned.1.call-start
scs
__scs_entry_jumppad:
0x0: {  	(pc) =	sbr.rel $0x88, $3  }
0x1: {  	(tag) =	ssettag $0x0;
	lr =	simm.s32 $0x1  }
0x2: {  	[smem:$0x3F9F] =	sst lr;
	_ =	strace $0xD0000000  }
0x3: {  	_ = 	snop  }
0x4: {  	_ = 	snop  }
0x5: {  	_ = 	snop  }
0x6: {  	_ = 	snop  }
0x7: {  	_ = 	snop  }
__scs_overlays_trampoline_lowered:
0x8: {  	[smem:$0x3FAE] =	sst s0  }
0x9: {  	[smem:$0x3FAF] =	sst s1  }
0xa: {  	[smem:$0x3FB0] =	sst s2  }
0xb: {  	[smem:$0x3FB1] =	sst s3  }
0xc: {  	[smem:$0x3FB2] =	sst s4  }
0xd: {  	[smem:$0x3FB3] =	sst s5  }
0xe: {  	[smem:$0x3FB4] =	sst s6  }
0xf: {  	[smem:$0x3FB5] =	sst s7  }
0x10: {  	[smem:$0x3FB6] =	sst s8  }
0x11: {  	[smem:$0x3FB7] =	sst s9;
	s0 =	simm.s32 @!p0 $0x0  }
0x12: {  	s1 =	sld [smem:$0x3F9D];
	s0 =	simm.s32 @p0 $0x1  }
0x13: {  	[smem:$0x3FB8] =	sst s0;
	s0 =	simm.s32 @!p1 $0x0  }
0x14: {  	s2 =	sld [smem:$0x3F9C];
	s0 =	simm.s32 @p1 $0x1  }
0x15: {  	[smem:$0x3FB9] =	sst s0;
	s0 =	simm.s32 @!p2 $0x0  }
0x16: {  	s3 =	sld [smem:$0x3FDB];
	s0 =	simm.s32 @p2 $0x1  }
0x17: {  	s4 =	simm.s32 $0x1BF5;
	[smem:$0x3FBB] =	sst s0  }
0x18: {  	s0 =	sld [smem:$0x3F9E];
	_ =	swait.ge [sflag:s4], $0x0  }
0x19: {  	s7 =	sld [smem:$0x3F9F]  }
0x1a: {  	s8 =	sadd.s32 $0xFFFFE003, lr  }
0x1b: {  	s9 =	sadd.s32 $0xFFFFFEF7, lr;
	s5 =	simm.s32 $0xFFFFFFFF;
	p2 =	slt.u32 s8, $0xFFFFF086  }
0x1c: {  	p1 =	slt.u32 s9, $0xF7A;
	s5 =	simm.s32 @!p2 $0x0  }
0x1d: {  	s5 =	simm.s32 @p1 $0x1;
	p0 =	seq.s32 s7, s2  }
0x1e: {  	s7 =	smul.u32 @!p0 $0xF7A, s2;
	p2 =	seq.s32 @!p0 s5, $0x0  }
0x1f: {  	s9 =	smul.u32 $0xF7A, s1;
	s8 =	simm.s32 @!p0 $0x1BF5;
	p2 =	por !p2, p0  }
0x20: {  	[sflag:s8] =	ssyncset.s32 @!p0 $0xFFFFF086;
	s6 =	sadd.s32 @!p0 s3, s7;
	s7 =	simm.s32 @!p0 $0x108  }
0x21: {  	s3 =	sadd.s32 s3, s9;
	s6 =	sadd.s32 @!p0 $0x88, s6;
	s7 =	simm.s32 @p2 $0x1082  }
0x22: {  	[simem:s7], [sflag:s8] =	dma.local @!p0 [hbm:s6], $0xF7A  }
0x23: {  	s9 =	sor.u32 $0xD0000000, s2;
	s6 =	simm.s32 $0x108;
	_ =	swait.ge @!p0 [sflag:s8], $0x0  }
0x24: {  	s3 =	sadd.s32 $0x88, s3;
	s6 =	simm.s32 @!p1 $0x1082;
	[sflag:s4] =	ssyncset.s32 $0xFFFFF086  }
0x25: {  	[simem:s6], [sflag:s4] =	dma.local [hbm:s3], $0xF7A  }
0x26: {  	[smem:$0x3F9F] =	sst s1;
	(tag) =	ssettag s2;
	_ =	strace s9  }
0x27: {  	s1 =	sld [smem:$0x3FAF]  }
0x28: {  	s2 =	sld [smem:$0x3FB0]  }
0x29: {  	s4 =	sld [smem:$0x3FB2]  }
0x2a: {  	p0 =	seq.s32 s5, $0x0;
	s5 =	sld [smem:$0x3FB3]  }
0x2b: {  	s6 =	sld [smem:$0x3FB4]  }
0x2c: {  	s7 =	sld [smem:$0x3FB5]  }
0x2d: {  	s3 =	simm.s32 $0x108;
	s8 =	sld [smem:$0x3FB6]  }
0x2e: {  	s3 =	simm.s32 @!p0 $0x1082;
	s9 =	sld [smem:$0x3FB7]  }
0x2f: {  	lr =	sadd.s32 s0, s3;
	s0 =	sld [smem:$0x3FAE]  }
0x30: {  	s3 =	sld [smem:$0x3FB1]  }
0x31: {  	[smem:$0x3FBA] =	sst s10  }
0x32: {  	s10 =	sld [smem:$0x3FB8];
	_ =	sdelay $0x3  }
0x33: {  	p0 =	seq.s32 s10, $0x1;
	s10 =	sld [smem:$0x3FBA];
	_ =	sdelay $0x3  }
0x34: {  	[smem:$0x3FBA] =	sst s10  }
0x35: {  	s10 =	sld [smem:$0x3FB9];
	_ =	sdelay $0x3  }
0x36: {  	p1 =	seq.s32 s10, $0x1;
	s10 =	sld [smem:$0x3FBA];
	_ =	sdelay $0x3  }
0x37: {  	[smem:$0x3FBA] =	sst s10  }
0x38: {  	s10 =	sld [smem:$0x3FBB]  }
0x39: {  	_ = 	snop;
	(pc) =	sbr.ind lr, $3  }
0x3a: {  	_ = 	snop  }
0x3b: {  	_ = 	snop  }
0x3c: {  	p2 =	seq.s32 s10, $0x1;
	s10 =	sld [smem:$0x3FBA]  }
0x3d: {  	_ =	shalt  }
0x3e: {  	_ =	shalt  }
0x3f: {  	_ =	shalt  }
0x40: {  	_ =	shalt  }
0x41: {  	_ =	shalt  }
0x42: {  	_ =	shalt  }
0x43: {  	_ =	shalt  }
0x44: {  	_ =	shalt  }
0x45: {  	_ =	shalt  }
0x46: {  	_ =	shalt  }
0x47: {  	_ =	shalt  }
0x48: {  	_ =	shalt  }
0x49: {  	_ =	shalt  }
0x4a: {  	_ =	shalt  }
0x4b: {  	_ =	shalt  }
0x4c: {  	_ =	shalt  }
0x4d: {  	_ =	shalt  }
0x4e: {  	_ =	shalt  }
0x4f: {  	_ =	shalt  }
0x50: {  	_ =	shalt  }
0x51: {  	_ =	shalt  }
0x52: {  	_ =	shalt  }
0x53: {  	_ =	shalt  }
0x54: {  	_ =	shalt  }
0x55: {  	_ =	shalt  }
0x56: {  	_ =	shalt  }
0x57: {  	_ =	shalt  }
0x58: {  	_ =	shalt  }
0x59: {  	_ =	shalt  }
0x5a: {  	_ =	shalt  }
0x5b: {  	_ =	shalt  }
0x5c: {  	_ =	shalt  }
0x5d: {  	_ =	shalt  }
0x5e: {  	_ =	shalt  }
0x5f: {  	_ =	shalt  }
0x60: {  	_ =	shalt  }
0x61: {  	_ =	shalt  }
0x62: {  	_ =	shalt  }
0x63: {  	_ =	shalt  }
0x64: {  	_ =	shalt  }
0x65: {  	_ =	shalt  }
0x66: {  	_ =	shalt  }
0x67: {  	_ =	shalt  }
0x68: {  	_ =	shalt  }
0x69: {  	_ =	shalt  }
0x6a: {  	_ =	shalt  }
0x6b: {  	_ =	shalt  }
0x6c: {  	_ =	shalt  }
0x6d: {  	_ =	shalt  }
0x6e: {  	_ =	shalt  }
0x6f: {  	_ =	shalt  }
0x70: {  	_ =	shalt  }
0x71: {  	_ =	shalt  }
0x72: {  	_ =	shalt  }
0x73: {  	_ =	shalt  }
0x74: {  	_ =	shalt  }
0x75: {  	_ =	shalt  }
0x76: {  	_ =	shalt  }
0x77: {  	_ =	shalt  }
0x78: {  	_ =	shalt  }
0x79: {  	_ =	shalt  }
0x7a: {  	_ =	shalt  }
0x7b: {  	_ =	shalt  }
0x7c: {  	_ =	shalt  }
0x7d: {  	_ =	shalt  }
0x7e: {  	_ =	shalt  }
0x7f: {  	_ =	shalt  }
0x80: {  	_ =	shalt  }
0x81: {  	_ =	shalt  }
0x82: {  	_ =	shalt  }
0x83: {  	_ =	shalt  }
0x84: {  	_ =	shalt  }
0x85: {  	_ =	shalt  }
0x86: {  	_ =	shalt  }
0x87: {  	_ =	shalt  }
.Lfunc_end0:
.L_simem_size_0:
called_computation_lowered:
.L_overlay_start_0:
0x88: {  	s2 =	sld [smem:$0x3FD9]  }
0x89: {  	s3 =	sld [smem:$0x3FFE];
	_ =	sdelay $0x1  }
0x8a: {  	s1 =	srdreg.scid  }
0x8b: {  	s0 =	sand.u32 $0x1, s1  }
0x8c: {  	s17 =	sshll.u32 s0, $0xA;
	s2 =	sadd.s32 s3, s2  }
0x8d: {  	s2 =	sadd.s32 s2, s17  }
0x8e: {  	[smem:$0x3FC6] =	sst s2  }
0x8f: {  	_ = 	snop  }
0x90: {  	s2 =	sld [smem:$0x3FD0];
	(tm) =	ssettm $0x1  }
0x91: {  	s18 =	sld [smem:$0x3FFB];
	_ =	sdelay $0x3  }
0x92: {  	_ =	strace s18  }
0x93: {  	s3 =	sld [smem:$0x3FFC];
	_ =	sdelay $0x3  }
0x94: {  	_ =	strace s3  }
0x95: {  	s3 =	sld [smem:$0x3FFD];
	_ =	sdelay $0x3  }
0x96: {  	_ =	strace s3  }
0x97: {  	_ =	strace $0x8FFFFFFF  }
0x98: {  	s19 =	sld [smem:$0x3FDB];
	_ =	sdelay $0x1  }
0x99: {  	s4 =	simm.s32 $_scs_section_size  }
0x9a: {  	s5 =	simm.s32 $_size__tile_overlayer_lowered;
	s6 =	simm.s32 $_tile_overlayer_lowered  }
0x9b: {  	s22 =	simm.s32 $0x1BFF;
	s21 =	sshll.u32 s6, $0x1;
	s3 =	sadd.s32 s4, s19  }
0x9c: {  	s7 =	simm.s32 $0x0;
	s20 =	sshll.u32 s5, $0x1;
	s5 =	sadd.s32 s21, s3  }
0x9d: {  	[timem:s7], [sflag:s22] =	dma.local [hbm:s5], s20  }
0x9e: {  	_ =	swait.ge [sflag:s22], s20  }
0x9f: {  	s4 =	ssub.s32 $0x0, s20;
	[sflag:s22] =	ssyncset.done $0x0  }
0xa0: {  	[sflag:s22] =	ssyncadd.s32 s4;
	_ =	sdelay $0x1  }
0xa1: {  	s23 =	simm.s32 $0x1B8B  }
0xa2: {  	_ =	swait.ge [sflag:s23], $0x1  }
0xa3: {  	[sflag:s23] =	ssyncset.done $0x0  }
0xa4: {  	s25 =	simm.s32 $0x1B8E;
	s24 =	sld [smem:$0x3FFE];
	[sflag:s23] =	ssyncadd.s32 $0xFFFFFFFF  }
0xa5: {  	s26 =	simm.s32 $execute0_lowered;
	[smem:$0x3FD2] =	sst s25  }
0xa6: {  	s5 =	sshll.u32 s26, $0x1;
	_ =	strace $0x80000046;
	[dreg:$0x1] =	wrdreg $0xFFFFFFFF  }
0xa7: {  	s28 =	simm.s32 $_size_execute0_lowered;
	s3 =	sadd.s32 s3, s5;
	[dreg:$0x0] =	wrdreg $0x0  }
0xa8: {  	s5 =	sshll.u32 s28, $0x1;
	[dreg:$0x2] =	wrdreg s3  }
0xa9: {  	[dreg:$0x3] =	wrdreg s5  }
0xaa: {  	[dreg:$0x4] =	wrdreg $0xC0  }
0xab: {  	_ =	task [dreg:s7], $0x5FFFF  }
0xac: {  	[dreg:$0x1] =	wrdreg $0xFFFFFFFF  }
0xad: {  	[dreg:$0x0] =	wrdreg $0x60  }
0xae: {  	[dreg:$0x2] =	wrdreg s24  }
0xaf: {  	[dreg:$0x3] =	wrdreg s2  }
0xb0: {  	[dreg:$0x4] =	wrdreg $0x9  }
0xb1: {  	_ =	task.clear_ibuf [dreg:s7], $0x5FFFF;
	_ =	strace $0x90000046  }
0xb2: {  	s29 =	simm.s32 $0x9;
	_ =	strace $0x80000048  }
0xb3: {  	_ =	swait.ge [sflag:s29], $0x1  }
0xb4: {  	[sflag:s29] =	ssyncadd.s32 $0xFFFFFFFF  }
0xb5: {  	_ =	strace $0x90000048  }
0xb6: {  	_ =	sfence  }
0xb7: {  	s30 =	sld [smem:$0x0];
	_ =	sdelay $0x2  }
0xb8: {  	s31 =	sshll.u32 s1, $0xD;
	s1 =	sshrl.u32 s1, $0x2  }
0xb9: {  	s3 =	sand.u32 $0x4000, s31;
	s1 =	sadd.s32 s1, s30  }
0xba: {  	s0 =	sor.u32 s3, s0;
	s1 =	sshll.u32 s1, $0x11  }
0xbb: {  	s0 =	sor.u32 s1, s0  }
0xbc: {  	s0 =	sadd.s32 $0x8F2B, s0  }
0xbd: {  	[sflag:s0] =	ssyncadd.remote.s32 $0x1  }
0xbe: {  	_ =	sfence.sel $0xFFFF  }
0xbf: {  	[dreg:$0x0] =	wrdreg $0xFFFFFFFF;
	(pc) =	sbr.abs _section_cstart, $3  }
0xc0: {  	[dreg:$0x1] =	wrdreg $0xFFFFFFFF  }
0xc1: {  	_ =	task.clear_ibuf [dreg:s7], $0x2FFFF;
	_ =	strace $0x9FFFFFFF  }
0xc2: {  	(tm) =	ssettm $0x7FFFFFFF  }
0xc3: {  	_ =	shalt  }
tec
execute0_lowered:
.L_overlay_start_1:
0x0: {  	(tag) =	ssettag $0x1  }
0x1: {  	v0 =	vlaneseq.u32;
	vm13 =	vcmask $0x300;
	v1 =	vimm.s32 $0x0  }
0x2: {  	v2 =	vimm.s32 $0x15F0;
	v3 =	vimm.s32 $0x15F1;
	vm14 =	vcmask $0x704  }
0x3: {  	vm12 =	vcmask $0xB08;
	vm11 =	vcmask $0xF0C;
	vm10 =	vcmask $0x1310  }
0x4: {  	vm9 =	vcmask $0x1714;
	vm8 =	vcmask $0x1B18;
	vm7 =	vcmask $0x1F1C  }
0x5: {  	vm6 =	vcmask $0x2320;
	vm5 =	vcmask $0x2724;
	vm4 =	vcmask $0x2B28  }
0x6: {  	vm3 =	vcmask $0x2F2C;
	vm1 =	vcmask $0x3330;
	vm2 =	vcmask $0x3734  }
0x7: {  	vm0 =	vcmask $0x3B38;
	v4 =	vimm.s32 $0x15F2;
	v5 =	vimm.s32 $0x15F3  }
0x8: {  	v6 =	vimm.s32 $0x15F4;
	v7 =	vimm.s32 $0x15F5;
	v8 =	vimm.s32 $0x15F6  }
0x9: {  	v9 =	vimm.s32 $0x15F7;
	v0 =	vmul.u32 $0x32, v0;
	v2 =	vsel vm13, $0x0, v2  }
0xa: {  	v3 =	vsel vm13, $0x1, v3;
	v1 =	vsel vm13, $0x3, v1;
	v4 =	vsel vm13, $0x2, v4  }
0xb: {  	v5 =	vsel vm13, $0x3, v5;
	v6 =	vsel vm13, $0x4, v6;
	v7 =	vsel vm13, $0x5, v7  }
0xc: {  	v8 =	vsel vm13, $0x6, v8;
	v9 =	vsel vm13, $0x7, v9;
	v2 =	vsel vm14, $0x90, v2  }
0xd: {  	v3 =	vsel vm14, $0x91, v3;
	v4 =	vsel vm14, $0x92, v4;
	v5 =	vsel vm14, $0x93, v5  }
0xe: {  	v6 =	vsel vm14, $0x94, v6;
	v7 =	vsel vm14, $0x95, v7;
	v8 =	vsel vm14, $0x96, v8  }
0xf: {  	v9 =	vsel vm14, $0x97, v9;
	v2 =	vsel vm12, $0x120, v2;
	v3 =	vsel vm12, $0x121, v3  }
0x10: {  	v4 =	vsel vm12, $0x122, v4;
	v5 =	vsel vm12, $0x123, v5;
	v6 =	vsel vm12, $0x124, v6  }
0x11: {  	v7 =	vsel vm12, $0x125, v7;
	v8 =	vsel vm12, $0x126, v8;
	v9 =	vsel vm12, $0x127, v9  }
0x12: {  	v2 =	vsel vm11, $0x1B0, v2;
	v3 =	vsel vm11, $0x1B1, v3;
	v4 =	vsel vm11, $0x1B2, v4  }
0x13: {  	v5 =	vsel vm11, $0x1B3, v5;
	v6 =	vsel vm11, $0x1B4, v6;
	v7 =	vsel vm11, $0x1B5, v7  }
0x14: {  	v8 =	vsel vm11, $0x1B6, v8;
	v9 =	vsel vm11, $0x1B7, v9;
	v2 =	vsel vm10, $0x240, v2  }
0x15: {  	v3 =	vsel vm10, $0x241, v3;
	v4 =	vsel vm10, $0x242, v4;
	v5 =	vsel vm10, $0x243, v5  }
0x16: {  	v6 =	vsel vm10, $0x244, v6;
	v7 =	vsel vm10, $0x245, v7;
	v8 =	vsel vm10, $0x246, v8  }
0x17: {  	v9 =	vsel vm10, $0x247, v9;
	v2 =	vsel vm9, $0x2D0, v2;
	v3 =	vsel vm9, $0x2D1, v3  }
0x18: {  	v4 =	vsel vm9, $0x2D2, v4;
	v5 =	vsel vm9, $0x2D3, v5;
	v6 =	vsel vm9, $0x2D4, v6  }
0x19: {  	v7 =	vsel vm9, $0x2D5, v7;
	v8 =	vsel vm9, $0x2D6, v8;
	v9 =	vsel vm9, $0x2D7, v9  }
0x1a: {  	v2 =	vsel vm8, $0x360, v2;
	v3 =	vsel vm8, $0x361, v3;
	v4 =	vsel vm8, $0x362, v4  }
0x1b: {  	v5 =	vsel vm8, $0x363, v5;
	v6 =	vsel vm8, $0x364, v6;
	v7 =	vsel vm8, $0x365, v7  }
0x1c: {  	v8 =	vsel vm8, $0x366, v8;
	v9 =	vsel vm8, $0x367, v9;
	v2 =	vsel vm7, $0x3F0, v2  }
0x1d: {  	v3 =	vsel vm7, $0x3F1, v3;
	v4 =	vsel vm7, $0x3F2, v4;
	v5 =	vsel vm7, $0x3F3, v5  }
0x1e: {  	v6 =	vsel vm7, $0x3F4, v6;
	v7 =	vsel vm7, $0x3F5, v7;
	v8 =	vsel vm7, $0x3F6, v8  }
0x1f: {  	v9 =	vsel vm7, $0x3F7, v9;
	v2 =	vsel vm6, $0x1200, v2;
	v3 =	vsel vm6, $0x1201, v3  }
0x20: {  	v4 =	vsel vm6, $0x1202, v4;
	v5 =	vsel vm6, $0x1203, v5;
	v6 =	vsel vm6, $0x1204, v6  }
0x21: {  	v7 =	vsel vm6, $0x1205, v7;
	v8 =	vsel vm6, $0x1206, v8;
	v9 =	vsel vm6, $0x1207, v9  }
0x22: {  	v2 =	vsel vm5, $0x1290, v2;
	v3 =	vsel vm5, $0x1291, v3;
	v4 =	vsel vm5, $0x1292, v4  }
0x23: {  	v5 =	vsel vm5, $0x1293, v5;
	v6 =	vsel vm5, $0x1294, v6;
	v7 =	vsel vm5, $0x1295, v7  }
0x24: {  	v8 =	vsel vm5, $0x1296, v8;
	v9 =	vsel vm5, $0x1297, v9;
	v2 =	vsel vm4, $0x1320, v2  }
0x25: {  	s0 =	rddreg [dreg:$0x0];
	v3 =	vsel vm4, $0x1321, v3;
	v4 =	vsel vm4, $0x1322, v4;
	v5 =	vsel vm4, $0x1323, v5  }
0x26: {  	s1 =	srdreg.scid;
	s3 =	stileid.u32;
	v6 =	vsel vm4, $0x1324, v6;
	v7 =	vsel vm4, $0x1325, v7;
	v8 =	vsel vm4, $0x1326, v8  }
0x27: {  	s2 =	rddreg [dreg:$0x1];
	s12 =	simm.s32 $0x200;
	s14 =	simm.s32 $0xC800;
	v9 =	vsel vm4, $0x1327, v9;
	v2 =	vsel vm3, $0x13B0, v2;
	v3 =	vsel vm3, $0x13B1, v3  }
0x28: {  	s15 =	simm.s32 $0x10800;
	s16 =	simm.s32 $0x1;
	s17 =	simm.s32 $0x14800;
	v4 =	vsel vm3, $0x13B2, v4;
	v5 =	vsel vm3, $0x13B3, v5;
	v6 =	vsel vm3, $0x13B4, v6  }
0x29: {  	s18 =	simm.s32 $0x16C00;
	s19 =	simm.s32 $0x2;
	s20 =	simm.s32 $0x4;
	v7 =	vsel vm3, $0x13B5, v7;
	v8 =	vsel vm3, $0x13B6, v8;
	v9 =	vsel vm3, $0x13B7, v9  }
0x2a: {  	s21 =	simm.s32 $0x19000;
	s1 =	sand.u32 $0x1, s1;
	s4 =	sshll.u32 s3, $0x1;
	v2 =	vsel vm1, $0x1440, v2;
	v3 =	vsel vm1, $0x1441, v3;
	v4 =	vsel vm1, $0x1442, v4  }
0x2b: {  	s22 =	simm.s32 $0x1B400;
	s23 =	simm.s32 $0x3;
	s6 =	sor.u32 s1, s4;
	v5 =	vsel vm1, $0x1443, v5;
	v6 =	vsel vm1, $0x1444, v6;
	v7 =	vsel vm1, $0x1445, v7  }
0x2c: {  	s24 =	simm.s32 $0x0;
	s3 =	simm.s32 $0x0;
	s4 =	smul.u32 $0xC80, s6;
	v8 =	vsel vm1, $0x1446, v8;
	v9 =	vsel vm1, $0x1447, v9;
	v2 =	vsel vm2, $0x14D0, v2  }
0x2d: {  	s7 =	sadd.s32 $0x4000, s2;
	s8 =	sadd.s32 $0x8000, s2;
	s1 =	ssub.s32 $0x2, s1;
	v3 =	vsel vm2, $0x14D1, v3;
	v4 =	vsel vm2, $0x14D2, v4;
	v5 =	vsel vm2, $0x14D3, v5  }
0x2e: {  	[smem:$0x7FF] =	sst s3;
	s30 =	sshrl.u32 s1, $0x1;
	s5 =	sadd.s32 s4, s0;
	v6 =	vsel vm2, $0x14D4, v6;
	v7 =	vsel vm2, $0x14D5, v7;
	v8 =	vsel vm2, $0x14D6, v8  }
0x2f: {  	s4 =	sadd.s32 $0xF42A00, s0;
	s0 =	ssub.s32 s1, s30;
	s31 =	sadd.s32 $0x600, s5;
	v9 =	vsel vm2, $0x14D7, v9;
	v2 =	vsel vm0, $0x1560, v2;
	v3 =	vsel vm0, $0x1561, v3  }
0x30: {  	_ =	strace $0x80000047;
	s0 =	smax.u32 s0, $0x1;
	[dreg:$0x3] =	wrdreg s31;
	v4 =	vsel vm0, $0x1562, v4;
	v5 =	vsel vm0, $0x1563, v5;
	v6 =	vsel vm0, $0x1564, v6  }
0x31: {  	s9 =	sadd.s32 $0xC000, s2;
	s6 =	sshll.u32 s6, $0xC;
	[dreg:$0x4] =	wrdreg s0;
	v7 =	vsel vm0, $0x1565, v7;
	v8 =	vsel vm0, $0x1566, v8;
	v9 =	vsel vm0, $0x1567, v9  }
.LBB2_1:
0x32: {  	s0 =	rddreg [dreg:$0x3];
	s31 =	simm.s32 $0x5  }
0x33: {  	[tilespmem:s3], [sflag:$0x5] =	stream.linear.gather [hbm4b:s0+s3], $0x6400, $0x38;
	[tilespmem:$0x1D800] =	vst v63  }
0x34: {  	_ =	swait.ge [sflag:s31], $0x6400  }
0x35: {  	[sflag:s31] =	ssyncset.done $0x0  }
0x36: {  	s25 =	simm.s32 $0x6400;
	s26 =	simm.s32 $0x0;
	[sflag:s31] =	ssyncadd.s32 $0xFFFF9C00  }
.LBB2_2:
0x37: {  	v11 =	vadd.s32 s26, v0;
	_ =	sdelay $0x4  }
0x38: {  	s28 =	sadd.s32 $0x320, s26;
	v10 =	vmov s25;
	v11 =	vld.idx.msk [tilespmem:v11+s3+$0x0], $0xffff  }
0x39: {  	s29 =	simm.s32 $0x0;
	s30 =	simm.s32 $0x40;
	s31 =	simm.s32 $0x80;
	v12 =	vadd.s32 s28, v0  }
.LBB2_3:
0x3a: {  	p0 =	sne.s32 s31, $0x7C0;
	_ =	sdelay $0x1  }
.Ltmp0:
0x3b: {  	s0 =	sshra.s32 s29, $0x2;
	s29 =	smov.u32 s30;
	(pc) =	sbr.rel @p0 .LBB2_3-.Ltmp0, $4  }
0x3c: {  	s30 =	smov.u32 s31;
	[tilespmem:v10+s0+$0x0 ss:$0x1] =	vst.idx.msk $0xffff, v11  }
0x3d: {  	v11 =	vld.idx.msk [tilespmem:v12+s3+$0x0], $0xffff  }
0x3e: {  	s28 =	sadd.s32 $0x320, s28  }
0x3f: {  	s31 =	sadd.s32 $0x40, s31;
	v12 =	vadd.s32 s28, v0  }
0x40: {  	_ =	sdelay $0x2  }
0x41: {  	s0 =	sshra.s32 s29, $0x2  }
0x42: {  	s26 =	sadd.s32 $0x1, s26;
	[tilespmem:v10+s0+$0x0 ss:$0x1] =	vst.idx.msk $0xffff, v11  }
0x43: {  	p0 =	sne.s32 s26, $0x32;
	v11 =	vld.idx.msk [tilespmem:v12+s3+$0x0], $0xffff  }
.Ltmp1:
0x44: {  	_ = 	snop;
	(pc) =	sbr.rel @p0 .LBB2_2-.Ltmp1, $3  }
0x45: {  	_ =	sdelay $0x1  }
0x46: {  	s31 =	sshra.s32 s30, $0x2  }
0x47: {  	s25 =	sadd.s32 $0x200, s25;
	[tilespmem:v10+s31+$0x0 ss:$0x1] =	vst.idx.msk $0xffff, v11  }
0x48: {  	s0 =	simm.s32 $0x6400;
	s25 =	simm.s32 $0x0  }
0x49: {  	[tilespmem:s14], [sflag:$0x1] =	stream.indirect.gather [hbm4b:s4+s12], $0x20, s0, s12, $0xb8;
	[tilespmem:$0x1D800] =	vst v63  }
.LBB2_6:
0x4a: {  	s26 =	sshllo.u32 s25, $0x1  }
0x4b: {  	s0 =	sshll.u32 s26, $0x9  }
0x4c: {  	s0 =	sand.u32 $0x3FFFFE00, s0  }
0x4d: {  	p0 =	seq.s32 s25, $0x0;
	s0 =	sadd.s32 $0x6400, s0  }
0x4e: {  	[tilespmem:s15], [sflag:$0x2] =	stream.indirect.gather [hbm4b:s4+s12], $0x20, s0, s12, $0xb8;
	[tilespmem:$0x1D800] =	vst v63  }
0x4f: {  	s1 =	simm.s32 $0x0;
	s28 =	simm.s32 $0x4;
	_ =	swait.ge [sflag:s16], $0x4000  }
0x50: {  	s29 =	simm.s32 $0x1;
	s30 =	simm.s32 $0x0;
	[sflag:s16] =	ssyncset.done $0x0  }
0x51: {  	s1 =	sand.u32 $0x78, s1;
	s0 =	simm.s32 @!p0 $0x3;
	[sflag:s16] =	ssyncadd.s32 $0xFFFFC000  }
0x52: {  	s28 =	sand.u32 $0x7C, s28;
	s29 =	sand.u32 $0x79, s29;
	_ =	swait.ge @!p0 [sflag:s0], $0x1000  }
0x53: {  	s11 =	simm.s32 $0x7;
	s13 =	sand.u32 $0x18, s30;
	v10 =	vmov s1;
	v11 =	vmov s28;
	v14 =	vmov s29;
	[sflag:s0] =	ssyncset.done @!p0 $0x0  }
0x54: {  	s28 =	simm.s32 $0x5;
	s1 =	sand.u32 $0x7F, s11;
	v15 =	vmov s13;
	v11 =	vshrl.u32 v11, $0x3;
	v10 =	vshrl.u32 v10, $0x3;
	[sflag:s0] =	ssyncadd.s32 @!p0 $0xFFFFF000  }
0x55: {  	s28 =	sand.u32 $0x7D, s28;
	v12 =	vmov s1;
	v15 =	vmul.u32 $0x90, v15;
	v14 =	vshrl.u32 v14, $0x3;
	_ =	swait.ge @!p0 [sflag:s0], $0x1000  }
0x56: {  	s31 =	simm.s32 $0x3;
	v13 =	vmov s28;
	v10 =	vshll.u32 v10, v1;
	v11 =	vshll.u32 v11, v1;
	[sflag:s0] =	ssyncset.done @!p0 $0x0  }
0x57: {  	s28 =	sand.u32 $0x7B, s31;
	v12 =	vshrl.u32 v12, $0x3;
	v14 =	vshll.u32 v14, v1;
	v13 =	vshrl.u32 v13, $0x3;
	[sflag:s0] =	ssyncadd.s32 @!p0 $0xFFFFF000  }
0x58: {  	s31 =	simm.s32 $0x6;
	v16 =	vmov s28;
	s28 =	simm.s32 $0x2;
	v12 =	vshll.u32 v12, v1;
	v10 =	vor.u32 v15, v10;
	_ =	swait.ge @!p0 [sflag:s0], $0x1000  }
0x59: {  	s1 =	sand.u32 $0x7E, s31;
	v11 =	vor.u32 v15, v11;
	v14 =	vor.u32 v15, v14;
	v13 =	vshll.u32 v13, v1;
	s28 =	sand.u32 $0x7A, s28;
	[sflag:s0] =	ssyncset.done @!p0 $0x0  }
0x5a: {  	v16 =	vshrl.u32 v16, $0x3;
	v17 =	vmov s1;
	v18 =	vmov s28;
	[sflag:s0] =	ssyncadd.s32 @!p0 $0xFFFFF000  }
0x5b: {  	v10 =	vbroadcast v10, $0x0;
	v12 =	vor.u32 v15, v12;
	v18 =	vshrl.u32 v18, $0x3;
	_ =	swait.ge @!p0 [sflag:s0], $0x1000  }
0x5c: {  	v20 =	vbroadcast v11, $0x0;
	v16 =	vshll.u32 v16, v1;
	v18 =	vshll.u32 v18, v1;
	[sflag:s0] =	ssyncset.done @!p0 $0x0  }
0x5d: {  	s30 =	simm.s32 $0xC880;
	v13 =	vor.u32 v15, v13;
	v16 =	vor.u32 v15, v16;
	v18 =	vor.u32 v15, v18;
	[sflag:s0] =	ssyncadd.s32 @!p0 $0xFFFFF000  }
0x5e: {  	v22 =	vadd.s32 v2, v10;
	v16 =	vbroadcast v16, $0x0;
	v10 =	vbroadcast v18, $0x0;
	v19 =	vld [tilespmem:s30+$0xFFFFFFE0]  }
0x5f: {  	v11 =	vbroadcast v13, $0x0;
	v13 =	vbroadcast v14, $0x0;
	v14 =	vshrl.u32 v17, $0x3;
	v21 =	vld [tilespmem:s30+$0xFFFFFF80]  }
0x60: {  	v28 =	vadd.s32 v5, v16;
	v16 =	vadd.s32 v4, v10;
	v10 =	vshll.u32 v14, v1;
	v18 =	vld [tilespmem:s30+$0x40]  }
0x61: {  	s5 =	simm.s32 $0xC;
	v12 =	vbroadcast v12, $0x0;
	v25 =	vadd.s32 v7, v11;
	v10 =	vor.u32 v15, v10;
	v17 =	vld [tilespmem:s30+$0x20]  }
0x62: {  	s10 =	sand.u32 $0x7C, s5;
	s29 =	simm.s32 $0x8;
	v20 =	vadd.s32 v6, v20;
	v24 =	vbroadcast v10, $0x0;
	v23 =	vld [tilespmem:s30+$0xFFFFFFC0]  }
0x63: {  	s13 =	simm.s32 $0xD;
	s1 =	sand.u32 $0x78, s29;
	s28 =	simm.s32 $0xC980;
	v12 =	vadd.s32 v9, v12;
	v11 =	vadd.s32 v3, v13;
	v13 =	vmov s10;
	v15 =	vld [tilespmem:s30+$0x0]  }
0x64: {  	s11 =	simm.s32 $0xF;
	v26 =	vshrl.u32 v13, $0x3;
	v14 =	vmov s1;
	v13 =	vadd.s32 v8, v24;
	s0 =	sand.u32 $0x7D, s13;
	v10 =	vld [tilespmem:s28+$0xFFFFFFE0];
	[tilespmem:v22+s17+$0x0] =	vst.idx.msk $0xffff, v21  }
0x65: {  	s5 =	simm.s32 $0x9;
	s10 =	simm.s32 $0x0;
	v26 =	vshll.u32 v26, v1;
	s1 =	sand.u32 $0x7F, s11;
	v14 =	vshrl.u32 v14, $0x3;
	v29 =	vmov s0;
	v21 =	vld [tilespmem:s30+$0xFFFFFFA0];
	[tilespmem:v28+s17+$0x0] =	vst.idx.msk $0xffff, v19  }
0x66: {  	s31 =	sand.u32 $0x79, s5;
	s11 =	simm.s32 $0xB;
	v27 =	vmov s1;
	s1 =	sand.u32 $0x18, s10;
	v14 =	vshll.u32 v14, v1;
	[tilespmem:v25+s17+$0x0] =	vst.idx.msk $0xffff, v17;
	v17 =	vshrl.u32 v29, $0x3;
	v29 =	vld [tilespmem:s30+$0x60]  }
0x67: {  	v24 =	vmov s1;
	s0 =	sand.u32 $0x7B, s11;
	v19 =	vmov s31;
	[tilespmem:v16+s17+$0x0] =	vst.idx.msk $0xffff, v23;
	v23 =	vshrl.u32 v27, $0x3;
	v30 =	vld [tilespmem:s30+$0xFFFFFF90]  }
0x68: {  	v27 =	vmov s0;
	[tilespmem:v20+s17+$0x0] =	vst.idx.msk $0xffff, v15;
	v15 =	vmul.u32 $0x90, v24;
	v31 =	vshll.u32 v17, v1;
	v32 =	vld [tilespmem:s30+$0x30]  }
0x69: {  	s13 =	simm.s32 $0xE;
	[tilespmem:v13+s17+$0x0] =	vst.idx.msk $0xffff, v18;
	v33 =	vshll.u32 v23, v1;
	v23 =	vshrl.u32 v27, $0x3;
	v19 =	vshrl.u32 v19, $0x3;
	v27 =	vld [tilespmem:s30+$0xFFFFFFD0]  }
0x6a: {  	s1 =	sand.u32 $0x7E, s13;
	s31 =	simm.s32 $0xA;
	v62 =	vld [tilespmem:s30+$0xFFFFFFF0];
	v23 =	vshll.u32 v23, v1;
	v19 =	vshll.u32 v19, v1;
	[tilespmem:v11+s17+$0x0] =	vst.idx.msk $0xffff, v21  }
0x6b: {  	s0 =	sand.u32 $0x7A, s31;
	v17 =	vmov s1;
	v14 =	vor.u32 v15, v14;
	v31 =	vor.u32 v15, v31;
	v21 =	vld [tilespmem:s30+$0x10];
	[tilespmem:v12+s17+$0x0] =	vst.idx.msk $0xffff, v29  }
0x6c: {  	v26 =	vor.u32 v15, v26;
	v29 =	vbroadcast v14, $0x0;
	v14 =	vld [tilespmem:s28+$0x40];
	[tilespmem:v22+s18+$0x0] =	vst.idx.msk $0xffff, v30;
	v22 =	vmov s0  }
0x6d: {  	v33 =	vor.u32 v15, v33;
	v24 =	vor.u32 v15, v23;
	v23 =	vld [tilespmem:s30+$0xFFFFFFB0];
	[tilespmem:v25+s18+$0x0] =	vst.idx.msk $0xffff, v32;
	v18 =	vshrl.u32 v22, $0x3  }
0x6e: {  	v24 =	vbroadcast v24, $0x0;
	v25 =	vor.u32 v15, v19;
	[tilespmem:v16+s18+$0x0] =	vst.idx.msk $0xffff, v27;
	v22 =	vshll.u32 v18, v1;
	v18 =	vld [tilespmem:s30+$0x70]  }
0x6f: {  	v19 =	vbroadcast v33, $0x0;
	v27 =	vbroadcast v31, $0x0;
	[tilespmem:v28+s18+$0x0] =	vst.idx.msk $0xffff, v62;
	v63 =	vor.u32 v15, v22;
	v22 =	vld [tilespmem:s30+$0x50]  }
0x70: {  	v16 =	vadd.s32 v2, v29;
	s30 =	simm.s32 $0xCA80;
	[tilespmem:v20+s18+$0x0] =	vst.idx.msk $0xffff, v21;
	v21 =	vbroadcast v26, $0x0;
	v20 =	vld [tilespmem:s28+$0xFFFFFF80];
	v26 =	vbroadcast v63, $0x0  }
.LBB2_7:
0x71: {  	s0 =	sadd.s32 $0x9, s29  }
0x72: {  	s1 =	sadd.s32 $0xA, s29;
	v28 =	vld [tilespmem:s30+$0xFFFFFFE0];
	v25 =	vbroadcast v25, $0x0;
	v29 =	vadd.s32 v5, v24;
	v17 =	vshrl.u32 v17, $0x3;
	[tilespmem:v11+s18+$0x0] =	vst.idx.msk $0xffff, v23;
	s31 =	smov.u32 s29;
	s29 =	sadd.s32 $0x8, s29  }
0x73: {  	s13 =	sand.u32 $0x78, s29;
	s5 =	sadd.s32 $0xB, s31;
	s10 =	sadd.s32 $0xC, s31;
	v26 =	vadd.s32 v4, v26;
	v23 =	vld [tilespmem:s28+$0x20];
	v27 =	vadd.s32 v7, v27;
	v17 =	vshll.u32 v17, v1  }
0x74: {  	s11 =	sshrl.u32 s29, $0x4;
	v24 =	vmov s13;
	s10 =	sand.u32 $0x7C, s10;
	s13 =	sadd.s32 $0xF, s31;
	v11 =	vadd.s32 v3, v25;
	v25 =	vld [tilespmem:s28+$0xFFFFFFC0];
	v15 =	vor.u32 v15, v17;
	[tilespmem:v13+s18+$0x0] =	vst.idx.msk $0xffff, v22  }
0x75: {  	v21 =	vadd.s32 v6, v21;
	v13 =	vmov s10;
	s10 =	sadd.s32 $0xD, s31;
	s31 =	sadd.s32 $0xE, s31;
	s13 =	sand.u32 $0x7F, s13;
	v17 =	vld [tilespmem:s28+$0x0];
	v15 =	vbroadcast v15, $0x0;
	[tilespmem:v12+s18+$0x0] =	vst.idx.msk $0xffff, v18  }
0x76: {  	s0 =	sand.u32 $0x79, s0;
	s5 =	sand.u32 $0x7B, s5;
	v12 =	vadd.s32 v9, v19;
	v18 =	vshrl.u32 v13, $0x3;
	s10 =	sand.u32 $0x7D, s10;
	v22 =	vmov s13;
	[tilespmem:v16+s17+$0x0] =	vst.idx.msk $0xffff, v20;
	v20 =	vld [tilespmem:s28+$0xFFFFFFA0]  }
0x77: {  	s1 =	sand.u32 $0x7A, s1;
	s11 =	sand.u32 $0x18, s11;
	v19 =	vshrl.u32 v24, $0x3;
	v24 =	vmov s10;
	s10 =	sand.u32 $0x7E, s31;
	v30 =	vld [tilespmem:s28+$0xFFFFFF90];
	[tilespmem:v29+s17+$0x0] =	vst.idx.msk $0xffff, v10;
	v13 =	vadd.s32 v8, v15;
	v10 =	vmovc v28  }
0x78: {  	p1 =	slt.u32 s29, $0x1F8;
	v19 =	vshll.u32 v19, v1;
	v28 =	vmov s0;
	v15 =	vshrl.u32 v24, $0x3;
	v31 =	vld [tilespmem:s28+$0xFFFFFFF0];
	[tilespmem:v27+s17+$0x0] =	vst.idx.msk $0xffff, v23  }
0x79: {  	v18 =	vshll.u32 v18, v1;
	v22 =	vshrl.u32 v22, $0x3;
	v23 =	vmov s11;
	[tilespmem:v26+s17+$0x0] =	vst.idx.msk $0xffff, v25;
	v24 =	vld [tilespmem:s28+$0x60]  }
0x7a: {  	v22 =	vshll.u32 v22, v1;
	v25 =	vmov s5;
	v32 =	vshll.u32 v15, v1;
	[tilespmem:v21+s17+$0x0] =	vst.idx.msk $0xffff, v17;
	v33 =	vld [tilespmem:s28+$0x30]  }
0x7b: {  	v15 =	vmul.u32 $0x90, v23;
	v23 =	vshrl.u32 v25, $0x3;
	v17 =	vmov s10;
	[tilespmem:v11+s17+$0x0] =	vst.idx.msk $0xffff, v20;
	v20 =	vld [tilespmem:s28+$0x10]  }
0x7c: {  	v25 =	vshrl.u32 v28, $0x3;
	v28 =	vmov s1;
	v23 =	vshll.u32 v23, v1;
	[tilespmem:v16+s18+$0x0] =	vst.idx.msk $0xffff, v30;
	v16 =	vld [tilespmem:s28+$0xFFFFFFD0]  }
0x7d: {  	v25 =	vshll.u32 v25, v1;
	v28 =	vshrl.u32 v28, $0x3;
	v30 =	vor.u32 v15, v23;
	[tilespmem:v13+s17+$0x0] =	vst.idx.msk $0xffff, v14  }
.Ltmp2:
0x7e: {  	v32 =	vor.u32 v15, v32;
	v14 =	vor.u32 v15, v19;
	v23 =	vld [tilespmem:s28+$0xFFFFFFB0];
	[tilespmem:v12+s17+$0x0] =	vst.idx.msk $0xffff, v24;
	(pc) =	sbr.rel @p1 .LBB2_7-.Ltmp2, $4  }
0x7f: {  	v19 =	vshll.u32 v28, v1;
	v28 =	vor.u32 v15, v18;
	v24 =	vbroadcast v30, $0x0;
	[tilespmem:v27+s18+$0x0] =	vst.idx.msk $0xffff, v33;
	v18 =	vld [tilespmem:s28+$0x70]  }
0x80: {  	v30 =	vor.u32 v15, v19;
	v19 =	vor.u32 v15, v22;
	v27 =	vbroadcast v14, $0x0;
	[tilespmem:v21+s18+$0x0] =	vst.idx.msk $0xffff, v20;
	v22 =	vld [tilespmem:s28+$0x50];
	s28 =	smov.u32 s30  }
0x81: {  	v25 =	vor.u32 v15, v25;
	v19 =	vbroadcast v19, $0x0;
	v21 =	vbroadcast v28, $0x0;
	v14 =	vld [tilespmem:s30+$0x40];
	[tilespmem:v26+s18+$0x0] =	vst.idx.msk $0xffff, v16  }
0x82: {  	v16 =	vadd.s32 v2, v27;
	v26 =	vbroadcast v30, $0x0;
	v27 =	vbroadcast v32, $0x0;
	s30 =	sadd.s32 $0x100, s30;
	v20 =	vld [tilespmem:s28+$0xFFFFFF80];
	[tilespmem:v29+s18+$0x0] =	vst.idx.msk $0xffff, v31  }
0x83: {  	_ =	sdelay $0x2  }
0x84: {  	v24 =	vadd.s32 v5, v24  }
0x85: {  	v17 =	vshrl.u32 v17, $0x3;
	[tilespmem:v11+s18+$0x0] =	vst.idx.msk $0xffff, v23;
	v52 =	vld [tilespmem:s28+$0x0];
	v53 =	vadd.s32 v6, v21  }
0x86: {  	v11 =	vld [tilespmem:s28+$0x20];
	v25 =	vbroadcast v25, $0x0;
	v49 =	vadd.s32 v7, v27;
	v17 =	vshll.u32 v17, v1;
	[tilespmem:v12+s18+$0x0] =	vst.idx.msk $0xffff, v18  }
0x87: {  	v50 =	vld [tilespmem:s28+$0xFFFFFFC0];
	v26 =	vadd.s32 v4, v26;
	[tilespmem:v13+s18+$0x0] =	vst.idx.msk $0xffff, v22;
	v51 =	vor.u32 v15, v17  }
0x88: {  	v55 =	vld [tilespmem:s28+$0xFFFFFFA0];
	v54 =	vadd.s32 v3, v25;
	v13 =	vbroadcast v51, $0x0;
	[tilespmem:v16+s17+$0x0] =	vst.idx.msk $0xffff, v20  }
0x89: {  	v20 =	vld [tilespmem:s28+$0xFFFFFF90];
	[tilespmem:v24+s17+$0x0] =	vst.idx.msk $0xffff, v10  }
0x8a: {  	v10 =	vadd.s32 v8, v13;
	[tilespmem:v53+s17+$0x0] =	vst.idx.msk $0xffff, v52  }
0x8b: {  	v56 =	vld [tilespmem:s28+$0x60];
	[tilespmem:v49+s17+$0x0] =	vst.idx.msk $0xffff, v11;
	v11 =	vadd.s32 v9, v19  }
0x8c: {  	[tilespmem:v26+s17+$0x0] =	vst.idx.msk $0xffff, v50;
	v58 =	vld [tilespmem:s28+$0x10]  }
0x8d: {  	v60 =	vld [tilespmem:s28+$0xFFFFFFF0];
	[tilespmem:v54+s17+$0x0] =	vst.idx.msk $0xffff, v55  }
0x8e: {  	v57 =	vld [tilespmem:s28+$0x30];
	[tilespmem:v16+s18+$0x0] =	vst.idx.msk $0xffff, v20  }
0x8f: {  	v59 =	vld [tilespmem:s28+$0xFFFFFFD0];
	[tilespmem:v10+s17+$0x0] =	vst.idx.msk $0xffff, v14  }
0x90: {  	v61 =	vld [tilespmem:s28+$0xFFFFFFB0];
	[tilespmem:v11+s17+$0x0] =	vst.idx.msk $0xffff, v56  }
0x91: {  	v62 =	vld [tilespmem:s28+$0x50];
	[tilespmem:v53+s18+$0x0] =	vst.idx.msk $0xffff, v58  }
0x92: {  	[tilespmem:v24+s18+$0x0] =	vst.idx.msk $0xffff, v60;
	v63 =	vld [tilespmem:s28+$0x70]  }
0x93: {  	s0 =	sshll.u32 s25, $0x14;
	[tilespmem:v49+s18+$0x0] =	vst.idx.msk $0xffff, v57  }
0x94: {  	s0 =	sor.u32 s6, s0;
	[tilespmem:v26+s18+$0x0] =	vst.idx.msk $0xffff, v59  }
0x95: {  	s28 =	sshrl.u32 s0, $0x3;
	[tilespmem:v54+s18+$0x0] =	vst.idx.msk $0xffff, v61  }
0x96: {  	s30 =	simm.s32 $0x14800;
	s29 =	sadd.s32 s2, s28;
	[tilespmem:v10+s18+$0x0] =	vst.idx.msk $0xffff, v62  }
0x97: {  	s31 =	simm.s32 $0x10;
	s1 =	simm.s32 $0x14890;
	s0 =	sadd.s32 $0x0, s29;
	[tilespmem:v11+s18+$0x0] =	vst.idx.msk $0xffff, v63  }
.LBB2_9:
0x98: {  	[hbm4b:s0+s3] =	stream.linear.scatter [tilespmem:s30], [sflag:$0x3], $0x80, $0x38;
	[tilespmem:$0x1D800] =	vst v63  }
0x99: {  	s0 =	smov.u32 s31;
	s30 =	smov.u32 s1;
	p1 =	sne.s32 s31, $0x1F0  }
.Ltmp3:
0x9a: {  	s31 =	sadd.s32 $0x10, s31;
	(pc) =	sbr.rel @p1 .LBB2_9-.Ltmp3, $2  }
0x9b: {  	_ =	sdelay $0x2  }
0x9c: {  	s1 =	sadd.s32 $0x90, s1;
	s0 =	sadd.s32 s0, s29  }
0x9d: {  	[hbm4b:s0+s3] =	stream.linear.scatter [tilespmem:s30], [sflag:$0x3], $0x80, $0x38;
	[tilespmem:$0x1D800] =	vst v63  }
0x9e: {  	s29 =	sadd.s32 s28, s7;
	s30 =	simm.s32 $0x15A00  }
0x9f: {  	s31 =	simm.s32 $0x10;
	s1 =	simm.s32 $0x15A90;
	s0 =	sadd.s32 $0x0, s29  }
.LBB2_11:
0xa0: {  	[hbm4b:s0+s3] =	stream.linear.scatter [tilespmem:s30], [sflag:$0x3], $0x80, $0x38;
	[tilespmem:$0x1D800] =	vst v63  }
0xa1: {  	s0 =	smov.u32 s31;
	s30 =	smov.u32 s1;
	p1 =	sne.s32 s31, $0x1F0  }
.Ltmp4:
0xa2: {  	s31 =	sadd.s32 $0x10, s31;
	(pc) =	sbr.rel @p1 .LBB2_11-.Ltmp4, $2  }
0xa3: {  	_ =	sdelay $0x2  }
0xa4: {  	s1 =	sadd.s32 $0x90, s1;
	s0 =	sadd.s32 s0, s29  }
0xa5: {  	[hbm4b:s0+s3] =	stream.linear.scatter [tilespmem:s30], [sflag:$0x3], $0x80, $0x38;
	[tilespmem:$0x1D800] =	vst v63  }
0xa6: {  	s29 =	sadd.s32 s28, s8;
	s30 =	simm.s32 $0x16C00  }
0xa7: {  	s31 =	simm.s32 $0x10;
	s1 =	simm.s32 $0x16C90;
	s0 =	sadd.s32 $0x0, s29  }
.LBB2_13:
0xa8: {  	[hbm4b:s0+s3] =	stream.linear.scatter [tilespmem:s30], [sflag:$0x3], $0x80, $0x38;
	[tilespmem:$0x1D800] =	vst v63  }
0xa9: {  	s0 =	smov.u32 s31;
	s30 =	smov.u32 s1;
	p1 =	sne.s32 s31, $0x1F0  }
.Ltmp5:
0xaa: {  	s31 =	sadd.s32 $0x10, s31;
	(pc) =	sbr.rel @p1 .LBB2_13-.Ltmp5, $2  }
0xab: {  	_ =	sdelay $0x2  }
0xac: {  	s1 =	sadd.s32 $0x90, s1;
	s0 =	sadd.s32 s0, s29  }
0xad: {  	[hbm4b:s0+s3] =	stream.linear.scatter [tilespmem:s30], [sflag:$0x3], $0x80, $0x38;
	[tilespmem:$0x1D800] =	vst v63  }
0xae: {  	s28 =	sadd.s32 s28, s9;
	s29 =	simm.s32 $0x17E00  }
0xaf: {  	s30 =	simm.s32 $0x10;
	s1 =	simm.s32 $0x17E90;
	s0 =	sadd.s32 $0x0, s28  }
.LBB2_15:
0xb0: {  	[hbm4b:s0+s3] =	stream.linear.scatter [tilespmem:s29], [sflag:$0x3], $0x80, $0x38;
	[tilespmem:$0x1D800] =	vst v63  }
0xb1: {  	s0 =	smov.u32 s30;
	s29 =	smov.u32 s1;
	p1 =	sne.s32 s30, $0x1F0  }
.Ltmp6:
0xb2: {  	s30 =	sadd.s32 $0x10, s30;
	(pc) =	sbr.rel @p1 .LBB2_15-.Ltmp6, $2  }
0xb3: {  	_ =	sdelay $0x2  }
0xb4: {  	s1 =	sadd.s32 $0x90, s1;
	s0 =	sadd.s32 s0, s28  }
0xb5: {  	p1 =	sne.s32 s25, $0x18  }
.Ltmp7:
0xb6: {  	_ = 	snop;
	(pc) =	sbr.rel @p1 .LBB2_18-.Ltmp7, $2  }
0xb7: {  	_ =	sdelay $0x2  }
0xb8: {  	[hbm4b:s0+s3] =	stream.linear.scatter [tilespmem:s29], [sflag:$0x3], $0x80, $0x38;
	[tilespmem:$0x1D800] =	vst v63  }
.Ltmp8:
0xb9: {  	(pc) =	sbr.rel .LBB2_19-.Ltmp8, $4  }
0xba: {  	_ = 	snop  }
0xbb: {  	_ =	swait.ge [sflag:s19], $0x4000  }
0xbc: {  	[sflag:s19] =	ssyncset.done $0x0  }
0xbd: {  	[sflag:s19] =	ssyncadd.s32 $0xFFFFC000  }
.LBB2_18:
0xbe: {  	s0 =	sshll.u32 s25, $0xA  }
0xbf: {  	s0 =	sand.u32 $0x3FFFFC00, s0  }
.Ltmp9:
0xc0: {  	s0 =	sadd.s32 $0x6800, s0;
	(pc) =	sbr.rel @p0 .LBB2_20-.Ltmp9, $4  }
0xc1: {  	[tilespmem:s14], [sflag:$0x1] =	stream.indirect.gather [hbm4b:s4+s12], $0x20, s0, s12, $0xb8;
	[tilespmem:$0x1D800] =	vst v63  }
0xc2: {  	_ =	swait.ge [sflag:s19], $0x4000  }
0xc3: {  	[sflag:s19] =	ssyncset.done $0x0  }
0xc4: {  	[sflag:s19] =	ssyncadd.s32 $0xFFFFC000  }
.LBB2_19:
0xc5: {  	_ =	swait.ge [sflag:s20], $0x1000  }
0xc6: {  	[sflag:s20] =	ssyncset.done $0x0  }
0xc7: {  	[sflag:s20] =	ssyncadd.s32 $0xFFFFF000  }
0xc8: {  	_ =	swait.ge [sflag:s20], $0x1000  }
0xc9: {  	[sflag:s20] =	ssyncset.done $0x0  }
0xca: {  	[sflag:s20] =	ssyncadd.s32 $0xFFFFF000  }
0xcb: {  	_ =	swait.ge [sflag:s20], $0x1000  }
0xcc: {  	[sflag:s20] =	ssyncset.done $0x0  }
0xcd: {  	[sflag:s20] =	ssyncadd.s32 $0xFFFFF000  }
0xce: {  	_ =	swait.ge [sflag:s20], $0x1000  }
0xcf: {  	[sflag:s20] =	ssyncset.done $0x0  }
0xd0: {  	[sflag:s20] =	ssyncadd.s32 $0xFFFFF000  }
.LBB2_20:
0xd1: {  	s0 =	simm.s32 $0x0;
	s1 =	simm.s32 $0x4  }
0xd2: {  	s5 =	simm.s32 $0x1;
	s13 =	simm.s32 $0x7;
	s10 =	simm.s32 $0x0  }
0xd3: {  	s11 =	simm.s32 $0x3;
	s0 =	sand.u32 $0x78, s0;
	s1 =	sand.u32 $0x7C, s1  }
0xd4: {  	s5 =	sand.u32 $0x79, s5;
	s10 =	sand.u32 $0x18, s10;
	s11 =	sand.u32 $0x7B, s11;
	v10 =	vmov s0;
	v11 =	vmov s1  }
0xd5: {  	s31 =	simm.s32 $0x5;
	s0 =	sand.u32 $0x7F, s13;
	v14 =	vmov s5;
	v15 =	vmov s10;
	v16 =	vmov s11  }
0xd6: {  	s1 =	sand.u32 $0x7D, s31;
	v11 =	vshrl.u32 v11, $0x3;
	v10 =	vshrl.u32 v10, $0x3;
	v12 =	vmov s0  }
0xd7: {  	s13 =	simm.s32 $0x6;
	v13 =	vmov s1;
	v15 =	vmul.u32 $0x90, v15;
	v16 =	vshrl.u32 v16, $0x3  }
0xd8: {  	s31 =	simm.s32 $0x2;
	s0 =	sand.u32 $0x7E, s13;
	v14 =	vshrl.u32 v14, $0x3;
	v10 =	vshll.u32 v10, v1;
	v13 =	vshrl.u32 v13, $0x3  }
0xd9: {  	s1 =	sand.u32 $0x7A, s31;
	v11 =	vshll.u32 v11, v1;
	v12 =	vshrl.u32 v12, $0x3;
	v17 =	vmov s0  }
0xda: {  	v18 =	vmov s1;
	v16 =	vshll.u32 v16, v1;
	v14 =	vshll.u32 v14, v1  }
0xdb: {  	s13 =	simm.s32 $0xD;
	v13 =	vshll.u32 v13, v1;
	v12 =	vshll.u32 v12, v1;
	v18 =	vshrl.u32 v18, $0x3  }
0xdc: {  	s0 =	sand.u32 $0x7D, s13;
	v16 =	vor.u32 v15, v16;
	v10 =	vor.u32 v15, v10;
	v11 =	vor.u32 v15, v11  }
0xdd: {  	v14 =	vor.u32 v15, v14;
	v29 =	vmov s0;
	v13 =	vor.u32 v15, v13  }
0xde: {  	s30 =	simm.s32 $0x108F0;
	v18 =	vshll.u32 v18, v1;
	v16 =	vbroadcast v16, $0x0;
	v10 =	vbroadcast v10, $0x0  }
0xdf: {  	v19 =	vld [tilespmem:s30+$0xFFFFFF70];
	v12 =	vor.u32 v15, v12;
	v20 =	vbroadcast v11, $0x0;
	v18 =	vor.u32 v15, v18  }
0xe0: {  	v21 =	vld [tilespmem:s30+$0xFFFFFF10];
	v11 =	vbroadcast v13, $0x0;
	v12 =	vbroadcast v12, $0x0;
	v22 =	vadd.s32 v2, v10  }
0xe1: {  	v23 =	vld [tilespmem:s30+$0xFFFFFF50];
	v13 =	vbroadcast v14, $0x0;
	v10 =	vbroadcast v18, $0x0;
	v28 =	vadd.s32 v5, v16  }
0xe2: {  	s5 =	simm.s32 $0xC;
	v14 =	vshrl.u32 v17, $0x3;
	v17 =	vld [tilespmem:s30+$0xFFFFFFB0];
	v20 =	vadd.s32 v6, v20;
	v25 =	vadd.s32 v7, v11  }
0xe3: {  	s29 =	simm.s32 $0x8;
	s10 =	sand.u32 $0x7C, s5;
	v18 =	vld [tilespmem:s30+$0xFFFFFFD0];
	v11 =	vadd.s32 v3, v13;
	v16 =	vadd.s32 v4, v10;
	v10 =	vshll.u32 v14, v1  }
0xe4: {  	s11 =	simm.s32 $0xF;
	s1 =	sand.u32 $0x78, s29;
	v13 =	vmov s10;
	v12 =	vadd.s32 v9, v12;
	v10 =	vor.u32 v15, v10;
	v15 =	vld [tilespmem:s30+$0xFFFFFF90]  }
0xe5: {  	s31 =	simm.s32 $0x9;
	v14 =	vmov s1;
	s1 =	sand.u32 $0x7F, s11;
	v26 =	vshrl.u32 v13, $0x3;
	v24 =	vbroadcast v10, $0x0;
	[tilespmem:v22+s21+$0x0] =	vst.idx.msk $0xffff, v21;
	v21 =	vld [tilespmem:s30+$0xFFFFFF30]  }
0xe6: {  	s28 =	simm.s32 $0x109F0;
	s5 =	sand.u32 $0x79, s31;
	s10 =	simm.s32 $0x0;
	v27 =	vmov s1;
	v14 =	vshrl.u32 v14, $0x3;
	v26 =	vshll.u32 v26, v1;
	[tilespmem:v28+s21+$0x0] =	vst.idx.msk $0xffff, v19;
	v30 =	vld [tilespmem:s30+$0xFFFFFF20]  }
0xe7: {  	s11 =	simm.s32 $0xB;
	s1 =	sand.u32 $0x18, s10;
	v10 =	vld [tilespmem:s28+$0xFFFFFF70];
	v14 =	vshll.u32 v14, v1;
	v19 =	vmov s5;
	v13 =	vadd.s32 v8, v24;
	[tilespmem:v25+s21+$0x0] =	vst.idx.msk $0xffff, v17  }
0xe8: {  	s0 =	sand.u32 $0x7B, s11;
	v17 =	vshrl.u32 v29, $0x3;
	v24 =	vmov s1;
	v29 =	vld [tilespmem:s30+$0xFFFFFFF0];
	v19 =	vshrl.u32 v19, $0x3;
	[tilespmem:v16+s21+$0x0] =	vst.idx.msk $0xffff, v23  }
0xe9: {  	v62 =	vld [tilespmem:s30+$0xFFFFFF80];
	v23 =	vshrl.u32 v27, $0x3;
	v27 =	vmov s0;
	v31 =	vshll.u32 v17, v1;
	[tilespmem:v20+s21+$0x0] =	vst.idx.msk $0xffff, v15  }
0xea: {  	s13 =	simm.s32 $0xE;
	v32 =	vld [tilespmem:s30+$0xFFFFFFC0];
	v33 =	vshll.u32 v23, v1;
	v15 =	vmul.u32 $0x90, v24;
	v23 =	vshrl.u32 v27, $0x3;
	[tilespmem:v11+s21+$0x0] =	vst.idx.msk $0xffff, v21  }
0xeb: {  	s31 =	simm.s32 $0xA;
	s1 =	sand.u32 $0x7E, s13;
	v19 =	vshll.u32 v19, v1;
	v27 =	vld [tilespmem:s30+$0xFFFFFF60];
	v23 =	vshll.u32 v23, v1;
	[tilespmem:v22+s22+$0x0] =	vst.idx.msk $0xffff, v30  }
0xec: {  	s0 =	sand.u32 $0x7A, s31;
	v17 =	vmov s1;
	v21 =	vld [tilespmem:s30+$0xFFFFFFA0];
	v24 =	vor.u32 v15, v23;
	v14 =	vor.u32 v15, v14;
	[tilespmem:v13+s21+$0x0] =	vst.idx.msk $0xffff, v18  }
0xed: {  	v31 =	vor.u32 v15, v31;
	v26 =	vor.u32 v15, v26;
	v22 =	vmov s0;
	v23 =	vld [tilespmem:s30+$0xFFFFFF40];
	[tilespmem:v12+s21+$0x0] =	vst.idx.msk $0xffff, v29  }
0xee: {  	v33 =	vor.u32 v15, v33;
	v29 =	vbroadcast v14, $0x0;
	v14 =	vld [tilespmem:s28+$0xFFFFFFD0];
	[tilespmem:v28+s22+$0x0] =	vst.idx.msk $0xffff, v62;
	v18 =	vshrl.u32 v22, $0x3  }
0xef: {  	v24 =	vbroadcast v24, $0x0;
	[tilespmem:v25+s22+$0x0] =	vst.idx.msk $0xffff, v32;
	v25 =	vor.u32 v15, v19;
	v22 =	vshll.u32 v18, v1;
	v18 =	vld [tilespmem:s30+$0x0]  }
0xf0: {  	v19 =	vbroadcast v33, $0x0;
	[tilespmem:v16+s22+$0x0] =	vst.idx.msk $0xffff, v27;
	v27 =	vbroadcast v31, $0x0;
	v63 =	vor.u32 v15, v22;
	v22 =	vld [tilespmem:s30+$0xFFFFFFE0]  }
0xf1: {  	v16 =	vadd.s32 v2, v29;
	s30 =	simm.s32 $0x10AF0;
	[tilespmem:v20+s22+$0x0] =	vst.idx.msk $0xffff, v21;
	v21 =	vbroadcast v26, $0x0;
	v20 =	vld [tilespmem:s28+$0xFFFFFF10];
	v26 =	vbroadcast v63, $0x0  }
.LBB2_21:
0xf2: {  	s0 =	sadd.s32 $0x9, s29  }
0xf3: {  	s1 =	sadd.s32 $0xA, s29;
	v28 =	vld [tilespmem:s30+$0xFFFFFF70];
	v25 =	vbroadcast v25, $0x0;
	v29 =	vadd.s32 v5, v24;
	v17 =	vshrl.u32 v17, $0x3;
	[tilespmem:v11+s22+$0x0] =	vst.idx.msk $0xffff, v23;
	s5 =	smov.u32 s29;
	s29 =	sadd.s32 $0x8, s29  }
0xf4: {  	s10 =	sand.u32 $0x78, s29;
	s11 =	sadd.s32 $0xB, s5;
	s13 =	sadd.s32 $0xC, s5;
	v26 =	vadd.s32 v4, v26;
	v23 =	vld [tilespmem:s28+$0xFFFFFFB0];
	v27 =	vadd.s32 v7, v27;
	v17 =	vshll.u32 v17, v1  }
0xf5: {  	s31 =	sshrl.u32 s29, $0x4;
	v24 =	vmov s10;
	s10 =	sand.u32 $0x7C, s13;
	s13 =	sadd.s32 $0xF, s5;
	v11 =	vadd.s32 v3, v25;
	v25 =	vld [tilespmem:s28+$0xFFFFFF50];
	v15 =	vor.u32 v15, v17;
	[tilespmem:v13+s22+$0x0] =	vst.idx.msk $0xffff, v22  }
0xf6: {  	v21 =	vadd.s32 v6, v21;
	v13 =	vmov s10;
	s10 =	sadd.s32 $0xD, s5;
	s5 =	sadd.s32 $0xE, s5;
	s13 =	sand.u32 $0x7F, s13;
	v17 =	vld [tilespmem:s28+$0xFFFFFF90];
	v15 =	vbroadcast v15, $0x0;
	[tilespmem:v12+s22+$0x0] =	vst.idx.msk $0xffff, v18  }
0xf7: {  	s0 =	sand.u32 $0x79, s0;
	s11 =	sand.u32 $0x7B, s11;
	v12 =	vadd.s32 v9, v19;
	v18 =	vshrl.u32 v13, $0x3;
	s10 =	sand.u32 $0x7D, s10;
	v22 =	vmov s13;
	[tilespmem:v16+s21+$0x0] =	vst.idx.msk $0xffff, v20;
	v20 =	vld [tilespmem:s28+$0xFFFFFF30]  }
0xf8: {  	s1 =	sand.u32 $0x7A, s1;
	v19 =	vshrl.u32 v24, $0x3;
	s13 =	sand.u32 $0x18, s31;
	s5 =	sand.u32 $0x7E, s5;
	v24 =	vmov s10;
	v30 =	vld [tilespmem:s28+$0xFFFFFF20];
	[tilespmem:v29+s21+$0x0] =	vst.idx.msk $0xffff, v10;
	v13 =	vadd.s32 v8, v15;
	v10 =	vmovc v28  }
0xf9: {  	p0 =	slt.u32 s29, $0x1F8;
	v19 =	vshll.u32 v19, v1;
	v28 =	vmov s0;
	v15 =	vshrl.u32 v24, $0x3;
	v31 =	vld [tilespmem:s28+$0xFFFFFF80];
	[tilespmem:v27+s21+$0x0] =	vst.idx.msk $0xffff, v23  }
0xfa: {  	v18 =	vshll.u32 v18, v1;
	v22 =	vshrl.u32 v22, $0x3;
	v23 =	vmov s13;
	[tilespmem:v26+s21+$0x0] =	vst.idx.msk $0xffff, v25;
	v24 =	vld [tilespmem:s28+$0xFFFFFFF0]  }
0xfb: {  	v22 =	vshll.u32 v22, v1;
	v25 =	vmov s11;
	v32 =	vshll.u32 v15, v1;
	[tilespmem:v21+s21+$0x0] =	vst.idx.msk $0xffff, v17;
	v33 =	vld [tilespmem:s28+$0xFFFFFFC0]  }
0xfc: {  	v15 =	vmul.u32 $0x90, v23;
	v23 =	vshrl.u32 v25, $0x3;
	v17 =	vmov s5;
	[tilespmem:v11+s21+$0x0] =	vst.idx.msk $0xffff, v20;
	v20 =	vld [tilespmem:s28+$0xFFFFFFA0]  }
0xfd: {  	v25 =	vshrl.u32 v28, $0x3;
	v28 =	vmov s1;
	v23 =	vshll.u32 v23, v1;
	[tilespmem:v16+s22+$0x0] =	vst.idx.msk $0xffff, v30;
	v16 =	vld [tilespmem:s28+$0xFFFFFF60]  }
0xfe: {  	v25 =	vshll.u32 v25, v1;
	v28 =	vshrl.u32 v28, $0x3;
	v30 =	vor.u32 v15, v23;
	[tilespmem:v13+s21+$0x0] =	vst.idx.msk $0xffff, v14  }
.Ltmp10:
0xff: {  	v32 =	vor.u32 v15, v32;
	v14 =	vor.u32 v15, v19;
	v23 =	vld [tilespmem:s28+$0xFFFFFF40];
	[tilespmem:v12+s21+$0x0] =	vst.idx.msk $0xffff, v24;
	(pc) =	sbr.rel @p0 .LBB2_21-.Ltmp10, $4  }
0x100: {  	v19 =	vshll.u32 v28, v1;
	v28 =	vor.u32 v15, v18;
	v24 =	vbroadcast v30, $0x0;
	[tilespmem:v27+s22+$0x0] =	vst.idx.msk $0xffff, v33;
	v18 =	vld [tilespmem:s28+$0x0]  }
0x101: {  	v30 =	vor.u32 v15, v19;
	v19 =	vor.u32 v15, v22;
	v27 =	vbroadcast v14, $0x0;
	[tilespmem:v21+s22+$0x0] =	vst.idx.msk $0xffff, v20;
	v22 =	vld [tilespmem:s28+$0xFFFFFFE0];
	s28 =	smov.u32 s30  }
0x102: {  	v25 =	vor.u32 v15, v25;
	v19 =	vbroadcast v19, $0x0;
	v21 =	vbroadcast v28, $0x0;
	v14 =	vld [tilespmem:s30+$0xFFFFFFD0];
	[tilespmem:v26+s22+$0x0] =	vst.idx.msk $0xffff, v16  }
0x103: {  	v16 =	vadd.s32 v2, v27;
	v26 =	vbroadcast v30, $0x0;
	v27 =	vbroadcast v32, $0x0;
	s30 =	sadd.s32 $0x100, s30;
	v20 =	vld [tilespmem:s28+$0xFFFFFF10];
	[tilespmem:v29+s22+$0x0] =	vst.idx.msk $0xffff, v31  }
0x104: {  	_ =	sdelay $0x2  }
0x105: {  	v24 =	vadd.s32 v5, v24  }
0x106: {  	v17 =	vshrl.u32 v17, $0x3;
	[tilespmem:v11+s22+$0x0] =	vst.idx.msk $0xffff, v23;
	v52 =	vld [tilespmem:s28+$0xFFFFFF90];
	v53 =	vadd.s32 v6, v21  }
0x107: {  	v11 =	vld [tilespmem:s28+$0xFFFFFFB0];
	v25 =	vbroadcast v25, $0x0;
	v49 =	vadd.s32 v7, v27;
	v17 =	vshll.u32 v17, v1;
	[tilespmem:v12+s22+$0x0] =	vst.idx.msk $0xffff, v18  }
0x108: {  	v50 =	vld [tilespmem:s28+$0xFFFFFF50];
	v26 =	vadd.s32 v4, v26;
	[tilespmem:v13+s22+$0x0] =	vst.idx.msk $0xffff, v22;
	v51 =	vor.u32 v15, v17  }
0x109: {  	v55 =	vld [tilespmem:s28+$0xFFFFFF30];
	v54 =	vadd.s32 v3, v25;
	v13 =	vbroadcast v51, $0x0;
	[tilespmem:v16+s21+$0x0] =	vst.idx.msk $0xffff, v20  }
0x10a: {  	v20 =	vld [tilespmem:s28+$0xFFFFFF20];
	[tilespmem:v24+s21+$0x0] =	vst.idx.msk $0xffff, v10  }
0x10b: {  	v10 =	vadd.s32 v8, v13;
	[tilespmem:v53+s21+$0x0] =	vst.idx.msk $0xffff, v52  }
0x10c: {  	v56 =	vld [tilespmem:s28+$0xFFFFFFF0];
	[tilespmem:v49+s21+$0x0] =	vst.idx.msk $0xffff, v11;
	v11 =	vadd.s32 v9, v19  }
0x10d: {  	[tilespmem:v26+s21+$0x0] =	vst.idx.msk $0xffff, v50;
	v58 =	vld [tilespmem:s28+$0xFFFFFFA0]  }
0x10e: {  	v60 =	vld [tilespmem:s28+$0xFFFFFF80];
	[tilespmem:v54+s21+$0x0] =	vst.idx.msk $0xffff, v55  }
0x10f: {  	v57 =	vld [tilespmem:s28+$0xFFFFFFC0];
	[tilespmem:v16+s22+$0x0] =	vst.idx.msk $0xffff, v20  }
0x110: {  	v59 =	vld [tilespmem:s28+$0xFFFFFF60];
	[tilespmem:v10+s21+$0x0] =	vst.idx.msk $0xffff, v14  }
0x111: {  	v61 =	vld [tilespmem:s28+$0xFFFFFF40];
	[tilespmem:v11+s21+$0x0] =	vst.idx.msk $0xffff, v56  }
0x112: {  	v62 =	vld [tilespmem:s28+$0xFFFFFFE0];
	[tilespmem:v53+s22+$0x0] =	vst.idx.msk $0xffff, v58  }
0x113: {  	[tilespmem:v24+s22+$0x0] =	vst.idx.msk $0xffff, v60;
	v63 =	vld [tilespmem:s28+$0x0]  }
0x114: {  	s0 =	sshll.u32 s26, $0x13;
	[tilespmem:v49+s22+$0x0] =	vst.idx.msk $0xffff, v57  }
0x115: {  	s0 =	sor.u32 s6, s0;
	[tilespmem:v26+s22+$0x0] =	vst.idx.msk $0xffff, v59  }
0x116: {  	s26 =	sshrl.u32 s0, $0x3;
	[tilespmem:v54+s22+$0x0] =	vst.idx.msk $0xffff, v61  }
0x117: {  	s29 =	simm.s32 $0x19000;
	s28 =	sadd.s32 s2, s26;
	[tilespmem:v10+s22+$0x0] =	vst.idx.msk $0xffff, v62  }
0x118: {  	s30 =	simm.s32 $0x10;
	s1 =	simm.s32 $0x19090;
	s0 =	sadd.s32 $0x0, s28;
	[tilespmem:v11+s22+$0x0] =	vst.idx.msk $0xffff, v63  }
.LBB2_23:
0x119: {  	[hbm4b:s0+s3] =	stream.linear.scatter [tilespmem:s29], [sflag:$0x4], $0x80, $0x38;
	[tilespmem:$0x1D800] =	vst v63  }
0x11a: {  	s0 =	smov.u32 s30;
	s29 =	smov.u32 s1;
	p0 =	sne.s32 s30, $0x1F0  }
.Ltmp11:
0x11b: {  	s30 =	sadd.s32 $0x10, s30;
	(pc) =	sbr.rel @p0 .LBB2_23-.Ltmp11, $2  }
0x11c: {  	_ =	sdelay $0x2  }
0x11d: {  	s1 =	sadd.s32 $0x90, s1;
	s0 =	sadd.s32 s0, s28  }
0x11e: {  	[hbm4b:s0+s3] =	stream.linear.scatter [tilespmem:s29], [sflag:$0x4], $0x80, $0x38;
	[tilespmem:$0x1D800] =	vst v63  }
0x11f: {  	s28 =	sadd.s32 s26, s7;
	s29 =	simm.s32 $0x1A200  }
0x120: {  	s30 =	simm.s32 $0x10;
	s1 =	simm.s32 $0x1A290;
	s0 =	sadd.s32 $0x0, s28  }
.LBB2_25:
0x121: {  	[hbm4b:s0+s3] =	stream.linear.scatter [tilespmem:s29], [sflag:$0x4], $0x80, $0x38;
	[tilespmem:$0x1D800] =	vst v63  }
0x122: {  	s0 =	smov.u32 s30;
	s29 =	smov.u32 s1;
	p0 =	sne.s32 s30, $0x1F0  }
.Ltmp12:
0x123: {  	s30 =	sadd.s32 $0x10, s30;
	(pc) =	sbr.rel @p0 .LBB2_25-.Ltmp12, $2  }
0x124: {  	_ =	sdelay $0x2  }
0x125: {  	s1 =	sadd.s32 $0x90, s1;
	s0 =	sadd.s32 s0, s28  }
0x126: {  	[hbm4b:s0+s3] =	stream.linear.scatter [tilespmem:s29], [sflag:$0x4], $0x80, $0x38;
	[tilespmem:$0x1D800] =	vst v63  }
0x127: {  	s28 =	sadd.s32 s26, s8;
	s29 =	simm.s32 $0x1B400  }
0x128: {  	s30 =	simm.s32 $0x10;
	s1 =	simm.s32 $0x1B490;
	s0 =	sadd.s32 $0x0, s28  }
.LBB2_27:
0x129: {  	[hbm4b:s0+s3] =	stream.linear.scatter [tilespmem:s29], [sflag:$0x4], $0x80, $0x38;
	[tilespmem:$0x1D800] =	vst v63  }
0x12a: {  	s0 =	smov.u32 s30;
	s29 =	smov.u32 s1;
	p0 =	sne.s32 s30, $0x1F0  }
.Ltmp13:
0x12b: {  	s30 =	sadd.s32 $0x10, s30;
	(pc) =	sbr.rel @p0 .LBB2_27-.Ltmp13, $2  }
0x12c: {  	_ =	sdelay $0x2  }
0x12d: {  	s1 =	sadd.s32 $0x90, s1;
	s0 =	sadd.s32 s0, s28  }
0x12e: {  	[hbm4b:s0+s3] =	stream.linear.scatter [tilespmem:s29], [sflag:$0x4], $0x80, $0x38;
	[tilespmem:$0x1D800] =	vst v63  }
0x12f: {  	s26 =	sadd.s32 s26, s9;
	s28 =	simm.s32 $0x1C600  }
0x130: {  	s29 =	simm.s32 $0x10;
	s1 =	simm.s32 $0x1C690;
	s0 =	sadd.s32 $0x0, s26  }
.LBB2_29:
0x131: {  	[hbm4b:s0+s3] =	stream.linear.scatter [tilespmem:s28], [sflag:$0x4], $0x80, $0x38;
	[tilespmem:$0x1D800] =	vst v63  }
0x132: {  	s0 =	smov.u32 s29;
	s28 =	smov.u32 s1;
	p0 =	sne.s32 s29, $0x1F0  }
.Ltmp14:
0x133: {  	s29 =	sadd.s32 $0x10, s29;
	(pc) =	sbr.rel @p0 .LBB2_29-.Ltmp14, $2  }
0x134: {  	_ =	sdelay $0x2  }
0x135: {  	s1 =	sadd.s32 $0x90, s1;
	s0 =	sadd.s32 s0, s26  }
0x136: {  	s25 =	sadd.s32 $0x1, s25  }
0x137: {  	p0 =	sne.s32 s25, $0x19  }
.Ltmp15:
0x138: {  	_ = 	snop;
	(pc) =	sbr.rel @p0 .LBB2_6-.Ltmp15, $2  }
0x139: {  	_ =	sdelay $0x2  }
0x13a: {  	[hbm4b:s0+s3] =	stream.linear.scatter [tilespmem:s28], [sflag:$0x4], $0x80, $0x38;
	[tilespmem:$0x1D800] =	vst v63  }
0x13b: {  	_ =	swait.ge [sflag:s23], $0x1000  }
0x13c: {  	[sflag:s23] =	ssyncset.done $0x0  }
0x13d: {  	[sflag:s23] =	ssyncadd.s32 $0xFFFFF000  }
0x13e: {  	_ =	swait.ge [sflag:s23], $0x1000  }
0x13f: {  	[sflag:s23] =	ssyncset.done $0x0  }
0x140: {  	[sflag:s23] =	ssyncadd.s32 $0xFFFFF000  }
0x141: {  	_ =	swait.ge [sflag:s23], $0x1000  }
0x142: {  	[sflag:s23] =	ssyncset.done $0x0  }
0x143: {  	[sflag:s23] =	ssyncadd.s32 $0xFFFFF000  }
0x144: {  	_ =	swait.ge [sflag:s23], $0x1000  }
0x145: {  	[sflag:s23] =	ssyncset.done $0x0  }
0x146: {  	[sflag:s23] =	ssyncadd.s32 $0xFFFFF000  }
0x147: {  	_ =	swait.ge [sflag:s20], $0x1000  }
0x148: {  	[sflag:s20] =	ssyncset.done $0x0  }
0x149: {  	[sflag:s20] =	ssyncadd.s32 $0xFFFFF000  }
0x14a: {  	_ =	swait.ge [sflag:s20], $0x1000  }
0x14b: {  	[sflag:s20] =	ssyncset.done $0x0  }
0x14c: {  	[sflag:s20] =	ssyncadd.s32 $0xFFFFF000  }
0x14d: {  	_ =	swait.ge [sflag:s20], $0x1000  }
0x14e: {  	[sflag:s20] =	ssyncset.done $0x0  }
0x14f: {  	[sflag:s20] =	ssyncadd.s32 $0xFFFFF000  }
0x150: {  	_ =	swait.ge [sflag:s20], $0x1000  }
0x151: {  	s24 =	sadd.s32 $0x1, s24;
	s0 =	rddreg [dreg:$0x4]  }
0x152: {  	p0 =	sne.s32 s24, s0  }
.Ltmp16:
0x153: {  	_ = 	snop;
	(pc) =	sbr.rel @p0 .LBB2_1-.Ltmp16, $3  }
0x154: {  	_ =	sdelay $0x1  }
0x155: {  	[sflag:s20] =	ssyncset.done $0x0  }
0x156: {  	[sflag:s20] =	ssyncadd.s32 $0xFFFFF000  }
0x157: {  	_ =	sfence.sel $0x180000  }
0x158: {  	[bflag:$0x0] =	sbarrier.arrive $0xFFFF  }
0x159: {  	_ =	strace $0x90000047  }
0x15a: {  	s0 =	stileid.u32;
	[bflag:$0x2] =	sbarrier.arrive $0xFFFF  }
0x15b: {  	p0 =	sne.s32 s0, $0x0;
	s0 =	rddreg [dreg:$0x2]  }
0x15c: {  	s0 =	sadd.s32 @!p0 $0x100000, s0  }
0x15d: {  	[sflag:s0] =	ssyncadd.tile.s32 @!p0 $0x1;
	_ =	shalt  }
.Lfunc_end2:
_tile_overlayer_lowered:
.L_overlay_start_2:
0x15e: {  	(tag) =	ssettag $0x2  }
0x15f: {  	s0 =	rddreg [dreg:$0x0];
	s2 =	stileid.u32  }
0x160: {  	s1 =	rddreg [dreg:$0x1];
	p0 =	sne.s32 s2, $0x0  }
0x161: {  	s3 =	rddreg [dreg:$0x2];
	[bflag:$0x3] =	sbarrier.arrive $0xFFFF;
	s2 =	simm.s32 @!p0 $0x1C05  }
0x162: {  	[timem:s3], [sflag:s2] =	dma.local @!p0 [hbm:s0], s1  }
0x163: {  	s0 =	simm.s32 @!p0 $0x5  }
0x164: {  	_ =	swait.ge @!p0 [sflag:s0], s1  }
0x165: {  	s1 =	ssub.s32 @!p0 $0x0, s1;
	[sflag:s0] =	ssyncset.done @!p0 $0x0  }
0x166: {  	[sflag:s0] =	ssyncadd.s32 @!p0 s1  }
0x167: {  	[bflag:$0x3] =	sbarrier.arrive $0xFFFF  }
0x168: {  	_ =	shalt  }

</sc_bundles>
